<compile_context>
chip_gen: v7x
topology: tpu7x:2x2x1
jax: 0.10.2.dev20260603
libtpu: 0.0.44.dev20260713+nightly
codegen_flags: <defaults>
</compile_context>

<pallas_src>
import jax
import jax.numpy as jnp
from jax import lax
from jax.experimental import pallas as pl
from jax.experimental.pallas import tpu as pltpu
from jax.experimental.pallas import tpu_sc as plsc

B, C = 32, 128
LANES = 16
NSUB = 16
ROWS_PER_W = B // NSUB
VPR = C // LANES
LN2 = 0.6931471805599453
SCALE = 8192.0

_GATHER_DN = lax.GatherDimensionNumbers(
    offset_dims=(), collapsed_slice_dims=(0,), start_index_map=(0,)
)


def _shuf(x, k):
    idx = lax.iota(jnp.int32, LANES) ^ k
    return lax.gather(
        x, idx[:, None], _GATHER_DN, slice_sizes=(1,),
        mode=lax.GatherScatterMode.PROMISE_IN_BOUNDS,
    )


def _allsum(x):
    for k in (8, 4, 2, 1):
        x = x + _shuf(x, k)
    return x


def _vlog(y):
    bits = plsc.bitcast(y, jnp.int32)
    k = (bits >> 23) - 127
    m = plsc.bitcast((bits & 0x007FFFFF) | 0x3F800000, jnp.float32)
    t = (m - 1.0) / (m + 1.0)
    t2 = t * t
    p = t * (2.0 + t2 * (2.0 / 3.0 + t2 * (2.0 / 5.0 + t2 * (2.0 / 7.0))))
    return k.astype(jnp.float32) * LN2 + p


def _body(p_hbm, out_hbm, pv, resv, sref):
    w = lax.axis_index("s") + lax.axis_index("c") * NSUB
    pltpu.sync_copy(p_hbm.at[pl.ds(w * ROWS_PER_W * 2 * C, ROWS_PER_W * 2 * C)], pv)

    @pl.when(w == 0)
    def _():
        sref[0] = jnp.int32(0)
        sref[1] = jnp.int32(0)

    total = jnp.zeros((LANES,), jnp.float32)
    count = jnp.zeros((LANES,), jnp.float32)
    for r in range(ROWS_PER_W):
        base = r * 2 * C
        xs = [pv[pl.ds(base + j * LANES, LANES)] for j in range(VPR)]
        zero = [plsc.bitcast(pv[pl.ds(base + C + j * LANES, LANES)], jnp.int32) == 0
                for j in range(VPR)]
        es = [jnp.exp(x) for x in xs]
        acc = jnp.zeros((LANES,), jnp.float32)
        for j in range(VPR):
            acc = acc + jnp.where(zero[j], es[j], 0.0)
            count = count + jnp.where(zero[j], 0.0, 1.0)
        s = _allsum(acc)
        for j in range(VPR):
            c = _vlog(es[j] + s) - xs[j]
            total = total + jnp.where(zero[j], 0.0, c)

    ti = (jnp.sum(total) * SCALE + 0.5).astype(jnp.int32)
    ci = jnp.sum(count).astype(jnp.int32)
    plsc.subcore_barrier()
    plsc.fetch_and_add(sref.at[0], ti, subcore_id=0)
    plsc.fetch_and_add(sref.at[1], ci, subcore_id=0)
    plsc.subcore_barrier()

    @pl.when(w == 0)
    def _():
        tvec = jnp.full((LANES,), sref[0], jnp.int32).astype(jnp.float32)
        cvec = jnp.full((LANES,), sref[1], jnp.int32).astype(jnp.float32)
        resv[...] = tvec * (1.0 / SCALE) / cvec
        pltpu.sync_copy(resv, out_hbm)


@jax.jit
def _run(packed):
    mesh = plsc.VectorSubcoreMesh(
        core_axis_name="c", subcore_axis_name="s", num_cores=1, num_subcores=NSUB
    )
    f = pl.kernel(
        _body,
        out_type=jax.ShapeDtypeStruct((LANES,), jnp.float32),
        mesh=mesh,
        compiler_params=pltpu.CompilerParams(
            needs_layout_passes=False,
            skip_device_barrier=True,
            disable_bounds_checks=True,
            disable_semaphore_checks=True,
        ),
        scratch_types=[
            pltpu.VMEM((ROWS_PER_W * 2 * C,), jnp.float32),
            pltpu.VMEM((LANES,), jnp.float32),
            pltpu.SMEM((2,), jnp.int32),
        ],
    )
    return f(packed)[0]


def kernel(output, target, weights):
    del weights
    tb = lax.bitcast_convert_type(target.astype(jnp.int32), jnp.float32)
    packed = jnp.stack([output, tb], axis=1).reshape(-1)
    return _run(packed)

# --- scband reference (transcript-rebuilt; emitter-appended) ---
"""Pipeline reference for scband-multi-label-cross-entropy-loss-35527969472648 (READ-ONLY COPY).

The authoritative reference and input builder live on the scoring server;
editing this copy changes nothing except your own understanding.
"""

import jax, jax.numpy as jnp
import numpy as np

B, C = 32, 128

def setup_inputs(seed: int = 0) -> dict:
    key = jax.random.key(seed)
    k1, k2, k3 = jax.random.split(key, 3)
    output = jax.random.normal(k1, (B, C), dtype=jnp.float32)
    target = jax.random.randint(k2, (B, C), 0, 2)  # multi-hot 0/1 labels
    weights = jax.random.uniform(k3, (C,), dtype=jnp.float32)
    return {"output": output, "target": target, "weights": weights}

def _weighted_ce_single(preds, w):
    # torch nn.CrossEntropyLoss(weight=w) on 1-D preds with scalar target=0,
    # mean reduction over a single sample: (w[0] * nll) / w[0]
    logp = jax.nn.log_softmax(preds)
    nll = -logp[0]
    return (w[0] * nll) / w[0]

def reference(output, target, weights):
    one_mask = target != 0                      # (B, C) positions treated as "ones"
    zero_mask = jnp.logical_not(one_mask)       # (B, C) positions treated as "zeros"
    neg_inf = jnp.asarray(-jnp.inf, dtype=output.dtype)
    masked_rows = jnp.where(zero_mask, output, neg_inf)          # (B, C)
    # For each (i, j): logits [output[i, j], zero-label logits of row i]
    first = output[:, :, None]                                   # (B, C, 1)
    rest = jnp.broadcast_to(masked_rows[:, None, :], (output.shape[0], output.shape[1], output.shape[1]))
    preds_all = jnp.concatenate([first, rest], axis=-1)          # (B, C, C+1)
    logp0 = jax.nn.log_softmax(preds_all, axis=-1)[:, :, 0]      # (B, C)
    nll = -logp0
    w_j = weights[None, :]                                       # (B, C) broadcast
    per_instance = (w_j * nll) / w_j
    total = jnp.sum(jnp.where(one_mask, per_instance, jnp.zeros_like(per_instance)))
    count = jnp.sum(one_mask).astype(per_instance.dtype)
    return total / count

if __name__ == "__main__":
    import jax
    _d = setup_inputs()
    print(jax.jit(kernel)(*tuple(_d.values())))

</pallas_src>

<mosaic_0001>
#map = affine_map<(d0, d1) -> (0)>
module attributes {stable_mosaic.version = 14 : i64} {
  func.func @_body(%arg0: i32, %arg1: i32, %arg2: memref<8192xf32, #tpu.memory_space<hbm>>, %arg3: memref<16xf32, #tpu.memory_space<hbm>>, %arg4: memref<512xf32, #tpu.memory_space<vmem>>, %arg5: memref<16xf32, #tpu.memory_space<vmem>>, %arg6: memref<2xi32, #tpu.memory_space<smem>>) attributes {dimension_semantics = [#tpu.dimension_semantics<core_parallel>, #tpu.dimension_semantics<subcore_parallel>], iteration_bounds = array<i64: 1, 16>, scalar_prefetch = 0 : i64, scratch_operands = 3 : i64, tpu.core_type = #tpu.core_type<sc_vector_subcore>, window_params = [{transform_indices = #map}, {transform_indices = #map}]} {
    %mul3A = arith.constant 16 : i32
    %mul3A_0 = arith.muli %arg0, %mul3A : i32
    %add3A = arith.addi %arg1, %mul3A_0 : i32
    %mul3A_1 = arith.constant 2 : i32
    %mul3A_2 = arith.muli %add3A, %mul3A_1 : i32
    %mul3A_3 = arith.constant 2 : i32
    %mul3A_4 = arith.muli %mul3A_2, %mul3A_3 : i32
    %mul3A_5 = arith.constant 128 : i32
    %mul3A_6 = arith.muli %mul3A_4, %mul3A_5 : i32
    "tpu.region"() ({
      %run_scoped3A = tpu.sem_alloc : memref<!tpu.dma_semaphore, #tpu.memory_space<semaphore_mem>>
      %dma_start3A = tpu.memref_slice %arg2[%mul3A_6] : memref<8192xf32, #tpu.memory_space<hbm>> -> memref<512xf32, #tpu.memory_space<hbm>>
      %dma_start3A_1163 = tpu.memref_slice %arg2[%mul3A_6] : memref<8192xf32, #tpu.memory_space<hbm>> -> memref<512xf32, #tpu.memory_space<hbm>>
      tpu.enqueue_dma source(%dma_start3A_1163 : memref<512xf32, #tpu.memory_space<hbm>>) target(%arg4 : memref<512xf32, #tpu.memory_space<vmem>>) target_semaphore(%run_scoped3A : memref<!tpu.dma_semaphore, #tpu.memory_space<semaphore_mem>>)
      %dma_wait3A = tpu.memref_slice %arg2[%mul3A_6] : memref<8192xf32, #tpu.memory_space<hbm>> -> memref<512xf32, #tpu.memory_space<hbm>>
      %dma_wait3A_1164 = tpu.memref_slice %arg2[%mul3A_6] : memref<8192xf32, #tpu.memory_space<hbm>> -> memref<512xf32, #tpu.memory_space<hbm>>
      tpu.wait_dma2 semaphore(%run_scoped3A : memref<!tpu.dma_semaphore, #tpu.memory_space<semaphore_mem>>) src(%dma_wait3A_1164 : memref<512xf32, #tpu.memory_space<hbm>>) dst(%arg4 : memref<512xf32, #tpu.memory_space<vmem>>)
      tpu.yield
    }) : () -> ()
    %eq3A = arith.constant 0 : i32
    %eq3A_7 = arith.cmpi eq, %add3A, %eq3A : i32
    %convert_element_type3A = arith.extui %eq3A_7 : i1 to i32
    %cond3A = arith.constant 0 : i32
    %cond3A_8 = arith.cmpi ne, %convert_element_type3A, %cond3A : i32
    scf.if %cond3A_8 {
      %swap3A = arith.constant 0 : i32
      %swap3A_1163 = arith.constant 0 : i32
      %swap3A_1164 = arith.index_cast %swap3A_1163 : i32 to index
      %swap3A_1165 = memref.load %arg6[%swap3A_1164] : memref<2xi32, #tpu.memory_space<smem>>
      memref.store %swap3A, %arg6[%swap3A_1164] : memref<2xi32, #tpu.memory_space<smem>>
      %swap3A_1166 = arith.constant 0 : i32
      %swap3A_1167 = arith.constant 1 : i32
      %swap3A_1168 = arith.index_cast %swap3A_1167 : i32 to index
      %swap3A_1169 = memref.load %arg6[%swap3A_1168] : memref<2xi32, #tpu.memory_space<smem>>
      memref.store %swap3A_1166, %arg6[%swap3A_1168] : memref<2xi32, #tpu.memory_space<smem>>
    } else {
    }
    %broadcast_in_dim3A = arith.constant 0.000000e+00 : f32
    %broadcast_in_dim3A_9 = vector.broadcast %broadcast_in_dim3A : f32 to vector<16xf32>
    %broadcast_in_dim3A_10 = arith.constant 0.000000e+00 : f32
    %broadcast_in_dim3A_11 = vector.broadcast %broadcast_in_dim3A_10 : f32 to vector<16xf32>
    %get3A = arith.constant 0 : index
    %get3A_12 = tpu.vector_load %arg4[%get3A] {strides = array<i32>} : memref<512xf32, #tpu.memory_space<vmem>>, vector<16xf32>,
    %get3A_13 = arith.constant 16 : index
    %get3A_14 = tpu.vector_load %arg4[%get3A_13] {strides = array<i32>} : memref<512xf32, #tpu.memory_space<vmem>>, vector<16xf32>,
    %get3A_15 = arith.constant 32 : index
    %get3A_16 = tpu.vector_load %arg4[%get3A_15] {strides = array<i32>} : memref<512xf32, #tpu.memory_space<vmem>>, vector<16xf32>,
    %get3A_17 = arith.constant 48 : index
    %get3A_18 = tpu.vector_load %arg4[%get3A_17] {strides = array<i32>} : memref<512xf32, #tpu.memory_space<vmem>>, vector<16xf32>,
    %get3A_19 = arith.constant 64 : index
    %get3A_20 = tpu.vector_load %arg4[%get3A_19] {strides = array<i32>} : memref<512xf32, #tpu.memory_space<vmem>>, vector<16xf32>,
    %get3A_21 = arith.constant 80 : index
    %get3A_22 = tpu.vector_load %arg4[%get3A_21] {strides = array<i32>} : memref<512xf32, #tpu.memory_space<vmem>>, vector<16xf32>,
    %get3A_23 = arith.constant 96 : index
    %get3A_24 = tpu.vector_load %arg4[%get3A_23] {strides = array<i32>} : memref<512xf32, #tpu.memory_space<vmem>>, vector<16xf32>,
    %get3A_25 = arith.constant 112 : index
    %get3A_26 = tpu.vector_load %arg4[%get3A_25] {strides = array<i32>} : memref<512xf32, #tpu.memory_space<vmem>>, vector<16xf32>,
    %get3A_27 = arith.constant 128 : index
    %get3A_28 = tpu.vector_load %arg4[%get3A_27] {strides = array<i32>} : memref<512xf32, #tpu.memory_space<vmem>>, vector<16xf32>,
    %bitcast3A = vector.bitcast %get3A_28 : vector<16xf32> to vector<16xi32>
    %eq3A_29 = arith.constant 0 : i32
    %eq3A_30 = vector.broadcast %eq3A_29 : i32 to vector<16xi32>
    %eq3A_31 = arith.cmpi eq, %bitcast3A, %eq3A_30 : vector<16xi32>
    %get3A_32 = arith.constant 144 : index
    %get3A_33 = tpu.vector_load %arg4[%get3A_32] {strides = array<i32>} : memref<512xf32, #tpu.memory_space<vmem>>, vector<16xf32>,
    %bitcast3A_34 = vector.bitcast %get3A_33 : vector<16xf32> to vector<16xi32>
    %eq3A_35 = arith.constant 0 : i32
    %eq3A_36 = vector.broadcast %eq3A_35 : i32 to vector<16xi32>
    %eq3A_37 = arith.cmpi eq, %bitcast3A_34, %eq3A_36 : vector<16xi32>
    %get3A_38 = arith.constant 160 : index
    %get3A_39 = tpu.vector_load %arg4[%get3A_38] {strides = array<i32>} : memref<512xf32, #tpu.memory_space<vmem>>, vector<16xf32>,
    %bitcast3A_40 = vector.bitcast %get3A_39 : vector<16xf32> to vector<16xi32>
    %eq3A_41 = arith.constant 0 : i32
    %eq3A_42 = vector.broadcast %eq3A_41 : i32 to vector<16xi32>
    %eq3A_43 = arith.cmpi eq, %bitcast3A_40, %eq3A_42 : vector<16xi32>
    %get3A_44 = arith.constant 176 : index
    %get3A_45 = tpu.vector_load %arg4[%get3A_44] {strides = array<i32>} : memref<512xf32, #tpu.memory_space<vmem>>, vector<16xf32>,
    %bitcast3A_46 = vector.bitcast %get3A_45 : vector<16xf32> to vector<16xi32>
    %eq3A_47 = arith.constant 0 : i32
    %eq3A_48 = vector.broadcast %eq3A_47 : i32 to vector<16xi32>
    %eq3A_49 = arith.cmpi eq, %bitcast3A_46, %eq3A_48 : vector<16xi32>
    %get3A_50 = arith.constant 192 : index
    %get3A_51 = tpu.vector_load %arg4[%get3A_50] {strides = array<i32>} : memref<512xf32, #tpu.memory_space<vmem>>, vector<16xf32>,
    %bitcast3A_52 = vector.bitcast %get3A_51 : vector<16xf32> to vector<16xi32>
    %eq3A_53 = arith.constant 0 : i32
    %eq3A_54 = vector.broadcast %eq3A_53 : i32 to vector<16xi32>
    %eq3A_55 = arith.cmpi eq, %bitcast3A_52, %eq3A_54 : vector<16xi32>
    %get3A_56 = arith.constant 208 : index
    %get3A_57 = tpu.vector_load %arg4[%get3A_56] {strides = array<i32>} : memref<512xf32, #tpu.memory_space<vmem>>, vector<16xf32>,
    %bitcast3A_58 = vector.bitcast %get3A_57 : vector<16xf32> to vector<16xi32>
    %eq3A_59 = arith.constant 0 : i32
    %eq3A_60 = vector.broadcast %eq3A_59 : i32 to vector<16xi32>
    %eq3A_61 = arith.cmpi eq, %bitcast3A_58, %eq3A_60 : vector<16xi32>
    %get3A_62 = arith.constant 224 : index
    %get3A_63 = tpu.vector_load %arg4[%get3A_62] {strides = array<i32>} : memref<512xf32, #tpu.memory_space<vmem>>, vector<16xf32>,
    %bitcast3A_64 = vector.bitcast %get3A_63 : vector<16xf32> to vector<16xi32>
    %eq3A_65 = arith.constant 0 : i32
    %eq3A_66 = vector.broadcast %eq3A_65 : i32 to vector<16xi32>
    %eq3A_67 = arith.cmpi eq, %bitcast3A_64, %eq3A_66 : vector<16xi32>
    %get3A_68 = arith.constant 240 : index
    %get3A_69 = tpu.vector_load %arg4[%get3A_68] {strides = array<i32>} : memref<512xf32, #tpu.memory_space<vmem>>, vector<16xf32>,
    %bitcast3A_70 = vector.bitcast %get3A_69 : vector<16xf32> to vector<16xi32>
    %eq3A_71 = arith.constant 0 : i32
    %eq3A_72 = vector.broadcast %eq3A_71 : i32 to vector<16xi32>
    %eq3A_73 = arith.cmpi eq, %bitcast3A_70, %eq3A_72 : vector<16xi32>
    %exp3A = math.exp %get3A_12 : vector<16xf32>
    %exp3A_74 = math.exp %get3A_14 : vector<16xf32>
    %exp3A_75 = math.exp %get3A_16 : vector<16xf32>
    %exp3A_76 = math.exp %get3A_18 : vector<16xf32>
    %exp3A_77 = math.exp %get3A_20 : vector<16xf32>
    %exp3A_78 = math.exp %get3A_22 : vector<16xf32>
    %exp3A_79 = math.exp %get3A_24 : vector<16xf32>
    %exp3A_80 = math.exp %get3A_26 : vector<16xf32>
    %broadcast_in_dim3A_81 = arith.constant 0.000000e+00 : f32
    %broadcast_in_dim3A_82 = vector.broadcast %broadcast_in_dim3A_81 : f32 to vector<16xf32>
    %jit3A = arith.constant 0.000000e+00 : f32
    %broadcast_in_dim3A_83 = vector.broadcast %jit3A : f32 to vector<16xf32>
    %select_n3A = arith.select %eq3A_31, %exp3A, %broadcast_in_dim3A_83 : vector<16xi1>, vector<16xf32>
    %add3A_84 = arith.addf %broadcast_in_dim3A_82, %select_n3A : vector<16xf32>
    %jit3A_85 = arith.constant 0.000000e+00 : f32
    %jit3A_86 = arith.constant 1.000000e+00 : f32
    %broadcast_in_dim3A_87 = vector.broadcast %jit3A_85 : f32 to vector<16xf32>
    %broadcast_in_dim3A_88 = vector.broadcast %jit3A_86 : f32 to vector<16xf32>
    %select_n3A_89 = arith.select %eq3A_31, %broadcast_in_dim3A_87, %broadcast_in_dim3A_88 : vector<16xi1>, vector<16xf32>
    %add3A_90 = arith.addf %broadcast_in_dim3A_11, %select_n3A_89 : vector<16xf32>
    %jit3A_91 = arith.constant 0.000000e+00 : f32
    %broadcast_in_dim3A_92 = vector.broadcast %jit3A_91 : f32 to vector<16xf32>
    %select_n3A_93 = arith.select %eq3A_37, %exp3A_74, %broadcast_in_dim3A_92 : vector<16xi1>, vector<16xf32>
    %add3A_94 = arith.addf %add3A_84, %select_n3A_93 : vector<16xf32>
    %jit3A_95 = arith.constant 0.000000e+00 : f32
    %jit3A_96 = arith.constant 1.000000e+00 : f32
    %broadcast_in_dim3A_97 = vector.broadcast %jit3A_95 : f32 to vector<16xf32>
    %broadcast_in_dim3A_98 = vector.broadcast %jit3A_96 : f32 to vector<16xf32>
    %select_n3A_99 = arith.select %eq3A_37, %broadcast_in_dim3A_97, %broadcast_in_dim3A_98 : vector<16xi1>, vector<16xf32>
    %add3A_100 = arith.addf %add3A_90, %select_n3A_99 : vector<16xf32>
    %jit3A_101 = arith.constant 0.000000e+00 : f32
    %broadcast_in_dim3A_102 = vector.broadcast %jit3A_101 : f32 to vector<16xf32>
    %select_n3A_103 = arith.select %eq3A_43, %exp3A_75, %broadcast_in_dim3A_102 : vector<16xi1>, vector<16xf32>
    %add3A_104 = arith.addf %add3A_94, %select_n3A_103 : vector<16xf32>
    %jit3A_105 = arith.constant 0.000000e+00 : f32
    %jit3A_106 = arith.constant 1.000000e+00 : f32
    %broadcast_in_dim3A_107 = vector.broadcast %jit3A_105 : f32 to vector<16xf32>
    %broadcast_in_dim3A_108 = vector.broadcast %jit3A_106 : f32 to vector<16xf32>
    %select_n3A_109 = arith.select %eq3A_43, %broadcast_in_dim3A_107, %broadcast_in_dim3A_108 : vector<16xi1>, vector<16xf32>
    %add3A_110 = arith.addf %add3A_100, %select_n3A_109 : vector<16xf32>
    %jit3A_111 = arith.constant 0.000000e+00 : f32
    %broadcast_in_dim3A_112 = vector.broadcast %jit3A_111 : f32 to vector<16xf32>
    %select_n3A_113 = arith.select %eq3A_49, %exp3A_76, %broadcast_in_dim3A_112 : vector<16xi1>, vector<16xf32>
    %add3A_114 = arith.addf %add3A_104, %select_n3A_113 : vector<16xf32>
    %jit3A_115 = arith.constant 0.000000e+00 : f32
    %jit3A_116 = arith.constant 1.000000e+00 : f32
    %broadcast_in_dim3A_117 = vector.broadcast %jit3A_115 : f32 to vector<16xf32>
    %broadcast_in_dim3A_118 = vector.broadcast %jit3A_116 : f32 to vector<16xf32>
    %select_n3A_119 = arith.select %eq3A_49, %broadcast_in_dim3A_117, %broadcast_in_dim3A_118 : vector<16xi1>, vector<16xf32>
    %add3A_120 = arith.addf %add3A_110, %select_n3A_119 : vector<16xf32>
    %jit3A_121 = arith.constant 0.000000e+00 : f32
    %broadcast_in_dim3A_122 = vector.broadcast %jit3A_121 : f32 to vector<16xf32>
    %select_n3A_123 = arith.select %eq3A_55, %exp3A_77, %broadcast_in_dim3A_122 : vector<16xi1>, vector<16xf32>
    %add3A_124 = arith.addf %add3A_114, %select_n3A_123 : vector<16xf32>
    %jit3A_125 = arith.constant 0.000000e+00 : f32
    %jit3A_126 = arith.constant 1.000000e+00 : f32
    %broadcast_in_dim3A_127 = vector.broadcast %jit3A_125 : f32 to vector<16xf32>
    %broadcast_in_dim3A_128 = vector.broadcast %jit3A_126 : f32 to vector<16xf32>
    %select_n3A_129 = arith.select %eq3A_55, %broadcast_in_dim3A_127, %broadcast_in_dim3A_128 : vector<16xi1>, vector<16xf32>
    %add3A_130 = arith.addf %add3A_120, %select_n3A_129 : vector<16xf32>
    %jit3A_131 = arith.constant 0.000000e+00 : f32
    %broadcast_in_dim3A_132 = vector.broadcast %jit3A_131 : f32 to vector<16xf32>
    %select_n3A_133 = arith.select %eq3A_61, %exp3A_78, %broadcast_in_dim3A_132 : vector<16xi1>, vector<16xf32>
    %add3A_134 = arith.addf %add3A_124, %select_n3A_133 : vector<16xf32>
    %jit3A_135 = arith.constant 0.000000e+00 : f32
    %jit3A_136 = arith.constant 1.000000e+00 : f32
    %broadcast_in_dim3A_137 = vector.broadcast %jit3A_135 : f32 to vector<16xf32>
    %broadcast_in_dim3A_138 = vector.broadcast %jit3A_136 : f32 to vector<16xf32>
    %select_n3A_139 = arith.select %eq3A_61, %broadcast_in_dim3A_137, %broadcast_in_dim3A_138 : vector<16xi1>, vector<16xf32>
    %add3A_140 = arith.addf %add3A_130, %select_n3A_139 : vector<16xf32>
    %jit3A_141 = arith.constant 0.000000e+00 : f32
    %broadcast_in_dim3A_142 = vector.broadcast %jit3A_141 : f32 to vector<16xf32>
    %select_n3A_143 = arith.select %eq3A_67, %exp3A_79, %broadcast_in_dim3A_142 : vector<16xi1>, vector<16xf32>
    %add3A_144 = arith.addf %add3A_134, %select_n3A_143 : vector<16xf32>
    %jit3A_145 = arith.constant 0.000000e+00 : f32
    %jit3A_146 = arith.constant 1.000000e+00 : f32
    %broadcast_in_dim3A_147 = vector.broadcast %jit3A_145 : f32 to vector<16xf32>
    %broadcast_in_dim3A_148 = vector.broadcast %jit3A_146 : f32 to vector<16xf32>
    %select_n3A_149 = arith.select %eq3A_67, %broadcast_in_dim3A_147, %broadcast_in_dim3A_148 : vector<16xi1>, vector<16xf32>
    %add3A_150 = arith.addf %add3A_140, %select_n3A_149 : vector<16xf32>
    %jit3A_151 = arith.constant 0.000000e+00 : f32
    %broadcast_in_dim3A_152 = vector.broadcast %jit3A_151 : f32 to vector<16xf32>
    %select_n3A_153 = arith.select %eq3A_73, %exp3A_80, %broadcast_in_dim3A_152 : vector<16xi1>, vector<16xf32>
    %add3A_154 = arith.addf %add3A_144, %select_n3A_153 : vector<16xf32>
    %jit3A_155 = arith.constant 0.000000e+00 : f32
    %jit3A_156 = arith.constant 1.000000e+00 : f32
    %broadcast_in_dim3A_157 = vector.broadcast %jit3A_155 : f32 to vector<16xf32>
    %broadcast_in_dim3A_158 = vector.broadcast %jit3A_156 : f32 to vector<16xf32>
    %select_n3A_159 = arith.select %eq3A_73, %broadcast_in_dim3A_157, %broadcast_in_dim3A_158 : vector<16xi1>, vector<16xf32>
    %add3A_160 = arith.addf %add3A_150, %select_n3A_159 : vector<16xf32>
    %iota3A = tpu.iota {dimensions = array<i32: 0>} : vector<16xi32>
    %xor3A = arith.constant 8 : i32
    %xor3A_161 = vector.broadcast %xor3A : i32 to vector<16xi32>
    %xor3A_162 = arith.xori %iota3A, %xor3A_161 : vector<16xi32>
    %broadcast_in_dim3A_163 = vector.shape_cast %xor3A_162 : vector<16xi32> to vector<16x1xi32>
    %gather3A = vector.shape_cast %broadcast_in_dim3A_163 : vector<16x1xi32> to vector<16xi32>
    %gather3A_164 = tpu.dynamic_gather %add3A_154[%gather3A] in [0] : vector<16xf32>, vector<16xi32> -> vector<16xf32>
    %add3A_165 = arith.addf %add3A_154, %gather3A_164 : vector<16xf32>
    %iota3A_166 = tpu.iota {dimensions = array<i32: 0>} : vector<16xi32>
    %xor3A_167 = arith.constant 4 : i32
    %xor3A_168 = vector.broadcast %xor3A_167 : i32 to vector<16xi32>
    %xor3A_169 = arith.xori %iota3A_166, %xor3A_168 : vector<16xi32>
    %broadcast_in_dim3A_170 = vector.shape_cast %xor3A_169 : vector<16xi32> to vector<16x1xi32>
    %gather3A_171 = vector.shape_cast %broadcast_in_dim3A_170 : vector<16x1xi32> to vector<16xi32>
    %gather3A_172 = tpu.dynamic_gather %add3A_165[%gather3A_171] in [0] : vector<16xf32>, vector<16xi32> -> vector<16xf32>
    %add3A_173 = arith.addf %add3A_165, %gather3A_172 : vector<16xf32>
    %iota3A_174 = tpu.iota {dimensions = array<i32: 0>} : vector<16xi32>
    %xor3A_175 = arith.constant 2 : i32
    %xor3A_176 = vector.broadcast %xor3A_175 : i32 to vector<16xi32>
    %xor3A_177 = arith.xori %iota3A_174, %xor3A_176 : vector<16xi32>
    %broadcast_in_dim3A_178 = vector.shape_cast %xor3A_177 : vector<16xi32> to vector<16x1xi32>
    %gather3A_179 = vector.shape_cast %broadcast_in_dim3A_178 : vector<16x1xi32> to vector<16xi32>
    %gather3A_180 = tpu.dynamic_gather %add3A_173[%gather3A_179] in [0] : vector<16xf32>, vector<16xi32> -> vector<16xf32>
    %add3A_181 = arith.addf %add3A_173, %gather3A_180 : vector<16xf32>
    %iota3A_182 = tpu.iota {dimensions = array<i32: 0>} : vector<16xi32>
    %xor3A_183 = arith.constant 1 : i32
    %xor3A_184 = vector.broadcast %xor3A_183 : i32 to vector<16xi32>
    %xor3A_185 = arith.xori %iota3A_182, %xor3A_184 : vector<16xi32>
    %broadcast_in_dim3A_186 = vector.shape_cast %xor3A_185 : vector<16xi32> to vector<16x1xi32>
    %gather3A_187 = vector.shape_cast %broadcast_in_dim3A_186 : vector<16x1xi32> to vector<16xi32>
    %gather3A_188 = tpu.dynamic_gather %add3A_181[%gather3A_187] in [0] : vector<16xf32>, vector<16xi32> -> vector<16xf32>
    %add3A_189 = arith.addf %add3A_181, %gather3A_188 : vector<16xf32>
    %add3A_190 = arith.addf %exp3A, %add3A_189 : vector<16xf32>
    %bitcast3A_191 = vector.bitcast %add3A_190 : vector<16xf32> to vector<16xi32>
    %shift_right_arithmetic3A = arith.constant 23 : i32
    %shift_right_arithmetic3A_192 = vector.broadcast %shift_right_arithmetic3A : i32 to vector<16xi32>
    %shift_right_arithmetic3A_193 = arith.shrsi %bitcast3A_191, %shift_right_arithmetic3A_192 : vector<16xi32>
    %sub3A = arith.constant 127 : i32
    %sub3A_194 = vector.broadcast %sub3A : i32 to vector<16xi32>
    %sub3A_195 = arith.subi %shift_right_arithmetic3A_193, %sub3A_194 : vector<16xi32>
    %and3A = arith.constant 8388607 : i32
    %and3A_196 = vector.broadcast %and3A : i32 to vector<16xi32>
    %and3A_197 = arith.andi %bitcast3A_191, %and3A_196 : vector<16xi32>
    %or3A = arith.constant 1065353216 : i32
    %or3A_198 = vector.broadcast %or3A : i32 to vector<16xi32>
    %or3A_199 = arith.ori %and3A_197, %or3A_198 : vector<16xi32>
    %bitcast3A_200 = vector.bitcast %or3A_199 : vector<16xi32> to vector<16xf32>
    %sub3A_201 = arith.constant 1.000000e+00 : f32
    %sub3A_202 = vector.broadcast %sub3A_201 : f32 to vector<16xf32>
    %sub3A_203 = arith.subf %bitcast3A_200, %sub3A_202 : vector<16xf32>
    %add3A_204 = arith.constant 1.000000e+00 : f32
    %add3A_205 = vector.broadcast %add3A_204 : f32 to vector<16xf32>
    %add3A_206 = arith.addf %bitcast3A_200, %add3A_205 : vector<16xf32>
    %div3A = arith.divf %sub3A_203, %add3A_206 : vector<16xf32>
    %mul3A_207 = arith.mulf %div3A, %div3A : vector<16xf32>
    %mul3A_208 = arith.constant 0.285714298 : f32
    %mul3A_209 = vector.broadcast %mul3A_208 : f32 to vector<16xf32>
    %mul3A_210 = arith.mulf %mul3A_207, %mul3A_209 : vector<16xf32>
    %add3A_211 = arith.constant 4.000000e-01 : f32
    %add3A_212 = vector.broadcast %add3A_211 : f32 to vector<16xf32>
    %add3A_213 = arith.addf %add3A_212, %mul3A_210 : vector<16xf32>
    %mul3A_214 = arith.mulf %mul3A_207, %add3A_213 : vector<16xf32>
    %add3A_215 = arith.constant 0.666666686 : f32
    %add3A_216 = vector.broadcast %add3A_215 : f32 to vector<16xf32>
    %add3A_217 = arith.addf %add3A_216, %mul3A_214 : vector<16xf32>
    %mul3A_218 = arith.mulf %mul3A_207, %add3A_217 : vector<16xf32>
    %add3A_219 = arith.constant 2.000000e+00 : f32
    %add3A_220 = vector.broadcast %add3A_219 : f32 to vector<16xf32>
    %add3A_221 = arith.addf %add3A_220, %mul3A_218 : vector<16xf32>
    %mul3A_222 = arith.mulf %div3A, %add3A_221 : vector<16xf32>
    %convert_element_type3A_223 = arith.sitofp %sub3A_195 : vector<16xi32> to vector<16xf32>
    %mul3A_224 = arith.constant 0.693147182 : f32
    %mul3A_225 = vector.broadcast %mul3A_224 : f32 to vector<16xf32>
    %mul3A_226 = arith.mulf %convert_element_type3A_223, %mul3A_225 : vector<16xf32>
    %add3A_227 = arith.addf %mul3A_226, %mul3A_222 : vector<16xf32>
    %sub3A_228 = arith.subf %add3A_227, %get3A_12 : vector<16xf32>
    %jit3A_229 = arith.constant 0.000000e+00 : f32
    %broadcast_in_dim3A_230 = vector.broadcast %jit3A_229 : f32 to vector<16xf32>
    %select_n3A_231 = arith.select %eq3A_31, %broadcast_in_dim3A_230, %sub3A_228 : vector<16xi1>, vector<16xf32>
    %add3A_232 = arith.addf %broadcast_in_dim3A_9, %select_n3A_231 : vector<16xf32>
    %add3A_233 = arith.addf %exp3A_74, %add3A_189 : vector<16xf32>
    %bitcast3A_234 = vector.bitcast %add3A_233 : vector<16xf32> to vector<16xi32>
    %shift_right_arithmetic3A_235 = arith.constant 23 : i32
    %shift_right_arithmetic3A_236 = vector.broadcast %shift_right_arithmetic3A_235 : i32 to vector<16xi32>
    %shift_right_arithmetic3A_237 = arith.shrsi %bitcast3A_234, %shift_right_arithmetic3A_236 : vector<16xi32>
    %sub3A_238 = arith.constant 127 : i32
    %sub3A_239 = vector.broadcast %sub3A_238 : i32 to vector<16xi32>
    %sub3A_240 = arith.subi %shift_right_arithmetic3A_237, %sub3A_239 : vector<16xi32>
    %and3A_241 = arith.constant 8388607 : i32
    %and3A_242 = vector.broadcast %and3A_241 : i32 to vector<16xi32>
    %and3A_243 = arith.andi %bitcast3A_234, %and3A_242 : vector<16xi32>
    %or3A_244 = arith.constant 1065353216 : i32
    %or3A_245 = vector.broadcast %or3A_244 : i32 to vector<16xi32>
    %or3A_246 = arith.ori %and3A_243, %or3A_245 : vector<16xi32>
    %bitcast3A_247 = vector.bitcast %or3A_246 : vector<16xi32> to vector<16xf32>
    %sub3A_248 = arith.constant 1.000000e+00 : f32
    %sub3A_249 = vector.broadcast %sub3A_248 : f32 to vector<16xf32>
    %sub3A_250 = arith.subf %bitcast3A_247, %sub3A_249 : vector<16xf32>
    %add3A_251 = arith.constant 1.000000e+00 : f32
    %add3A_252 = vector.broadcast %add3A_251 : f32 to vector<16xf32>
    %add3A_253 = arith.addf %bitcast3A_247, %add3A_252 : vector<16xf32>
    %div3A_254 = arith.divf %sub3A_250, %add3A_253 : vector<16xf32>
    %mul3A_255 = arith.mulf %div3A_254, %div3A_254 : vector<16xf32>
    %mul3A_256 = arith.constant 0.285714298 : f32
    %mul3A_257 = vector.broadcast %mul3A_256 : f32 to vector<16xf32>
    %mul3A_258 = arith.mulf %mul3A_255, %mul3A_257 : vector<16xf32>
    %add3A_259 = arith.constant 4.000000e-01 : f32
    %add3A_260 = vector.broadcast %add3A_259 : f32 to vector<16xf32>
    %add3A_261 = arith.addf %add3A_260, %mul3A_258 : vector<16xf32>
    %mul3A_262 = arith.mulf %mul3A_255, %add3A_261 : vector<16xf32>
    %add3A_263 = arith.constant 0.666666686 : f32
    %add3A_264 = vector.broadcast %add3A_263 : f32 to vector<16xf32>
    %add3A_265 = arith.addf %add3A_264, %mul3A_262 : vector<16xf32>
    %mul3A_266 = arith.mulf %mul3A_255, %add3A_265 : vector<16xf32>
    %add3A_267 = arith.constant 2.000000e+00 : f32
    %add3A_268 = vector.broadcast %add3A_267 : f32 to vector<16xf32>
    %add3A_269 = arith.addf %add3A_268, %mul3A_266 : vector<16xf32>
    %mul3A_270 = arith.mulf %div3A_254, %add3A_269 : vector<16xf32>
    %convert_element_type3A_271 = arith.sitofp %sub3A_240 : vector<16xi32> to vector<16xf32>
    %mul3A_272 = arith.constant 0.693147182 : f32
    %mul3A_273 = vector.broadcast %mul3A_272 : f32 to vector<16xf32>
    %mul3A_274 = arith.mulf %convert_element_type3A_271, %mul3A_273 : vector<16xf32>
    %add3A_275 = arith.addf %mul3A_274, %mul3A_270 : vector<16xf32>
    %sub3A_276 = arith.subf %add3A_275, %get3A_14 : vector<16xf32>
    %jit3A_277 = arith.constant 0.000000e+00 : f32
    %broadcast_in_dim3A_278 = vector.broadcast %jit3A_277 : f32 to vector<16xf32>
    %select_n3A_279 = arith.select %eq3A_37, %broadcast_in_dim3A_278, %sub3A_276 : vector<16xi1>, vector<16xf32>
    %add3A_280 = arith.addf %add3A_232, %select_n3A_279 : vector<16xf32>
    %add3A_281 = arith.addf %exp3A_75, %add3A_189 : vector<16xf32>
    %bitcast3A_282 = vector.bitcast %add3A_281 : vector<16xf32> to vector<16xi32>
    %shift_right_arithmetic3A_283 = arith.constant 23 : i32
    %shift_right_arithmetic3A_284 = vector.broadcast %shift_right_arithmetic3A_283 : i32 to vector<16xi32>
    %shift_right_arithmetic3A_285 = arith.shrsi %bitcast3A_282, %shift_right_arithmetic3A_284 : vector<16xi32>
    %sub3A_286 = arith.constant 127 : i32
    %sub3A_287 = vector.broadcast %sub3A_286 : i32 to vector<16xi32>
    %sub3A_288 = arith.subi %shift_right_arithmetic3A_285, %sub3A_287 : vector<16xi32>
    %and3A_289 = arith.constant 8388607 : i32
    %and3A_290 = vector.broadcast %and3A_289 : i32 to vector<16xi32>
    %and3A_291 = arith.andi %bitcast3A_282, %and3A_290 : vector<16xi32>
    %or3A_292 = arith.constant 1065353216 : i32
    %or3A_293 = vector.broadcast %or3A_292 : i32 to vector<16xi32>
    %or3A_294 = arith.ori %and3A_291, %or3A_293 : vector<16xi32>
    %bitcast3A_295 = vector.bitcast %or3A_294 : vector<16xi32> to vector<16xf32>
    %sub3A_296 = arith.constant 1.000000e+00 : f32
    %sub3A_297 = vector.broadcast %sub3A_296 : f32 to vector<16xf32>
    %sub3A_298 = arith.subf %bitcast3A_295, %sub3A_297 : vector<16xf32>
    %add3A_299 = arith.constant 1.000000e+00 : f32
    %add3A_300 = vector.broadcast %add3A_299 : f32 to vector<16xf32>
    %add3A_301 = arith.addf %bitcast3A_295, %add3A_300 : vector<16xf32>
    %div3A_302 = arith.divf %sub3A_298, %add3A_301 : vector<16xf32>
    %mul3A_303 = arith.mulf %div3A_302, %div3A_302 : vector<16xf32>
    %mul3A_304 = arith.constant 0.285714298 : f32
    %mul3A_305 = vector.broadcast %mul3A_304 : f32 to vector<16xf32>
    %mul3A_306 = arith.mulf %mul3A_303, %mul3A_305 : vector<16xf32>
    %add3A_307 = arith.constant 4.000000e-01 : f32
    %add3A_308 = vector.broadcast %add3A_307 : f32 to vector<16xf32>
    %add3A_309 = arith.addf %add3A_308, %mul3A_306 : vector<16xf32>
    %mul3A_310 = arith.mulf %mul3A_303, %add3A_309 : vector<16xf32>
    %add3A_311 = arith.constant 0.666666686 : f32
    %add3A_312 = vector.broadcast %add3A_311 : f32 to vector<16xf32>
    %add3A_313 = arith.addf %add3A_312, %mul3A_310 : vector<16xf32>
    %mul3A_314 = arith.mulf %mul3A_303, %add3A_313 : vector<16xf32>
    %add3A_315 = arith.constant 2.000000e+00 : f32
    %add3A_316 = vector.broadcast %add3A_315 : f32 to vector<16xf32>
    %add3A_317 = arith.addf %add3A_316, %mul3A_314 : vector<16xf32>
    %mul3A_318 = arith.mulf %div3A_302, %add3A_317 : vector<16xf32>
    %convert_element_type3A_319 = arith.sitofp %sub3A_288 : vector<16xi32> to vector<16xf32>
    %mul3A_320 = arith.constant 0.693147182 : f32
    %mul3A_321 = vector.broadcast %mul3A_320 : f32 to vector<16xf32>
    %mul3A_322 = arith.mulf %convert_element_type3A_319, %mul3A_321 : vector<16xf32>
    %add3A_323 = arith.addf %mul3A_322, %mul3A_318 : vector<16xf32>
    %sub3A_324 = arith.subf %add3A_323, %get3A_16 : vector<16xf32>
    %jit3A_325 = arith.constant 0.000000e+00 : f32
    %broadcast_in_dim3A_326 = vector.broadcast %jit3A_325 : f32 to vector<16xf32>
    %select_n3A_327 = arith.select %eq3A_43, %broadcast_in_dim3A_326, %sub3A_324 : vector<16xi1>, vector<16xf32>
    %add3A_328 = arith.addf %add3A_280, %select_n3A_327 : vector<16xf32>
    %add3A_329 = arith.addf %exp3A_76, %add3A_189 : vector<16xf32>
    %bitcast3A_330 = vector.bitcast %add3A_329 : vector<16xf32> to vector<16xi32>
    %shift_right_arithmetic3A_331 = arith.constant 23 : i32
    %shift_right_arithmetic3A_332 = vector.broadcast %shift_right_arithmetic3A_331 : i32 to vector<16xi32>
    %shift_right_arithmetic3A_333 = arith.shrsi %bitcast3A_330, %shift_right_arithmetic3A_332 : vector<16xi32>
    %sub3A_334 = arith.constant 127 : i32
    %sub3A_335 = vector.broadcast %sub3A_334 : i32 to vector<16xi32>
    %sub3A_336 = arith.subi %shift_right_arithmetic3A_333, %sub3A_335 : vector<16xi32>
    %and3A_337 = arith.constant 8388607 : i32
    %and3A_338 = vector.broadcast %and3A_337 : i32 to vector<16xi32>
    %and3A_339 = arith.andi %bitcast3A_330, %and3A_338 : vector<16xi32>
    %or3A_340 = arith.constant 1065353216 : i32
    %or3A_341 = vector.broadcast %or3A_340 : i32 to vector<16xi32>
    %or3A_342 = arith.ori %and3A_339, %or3A_341 : vector<16xi32>
    %bitcast3A_343 = vector.bitcast %or3A_342 : vector<16xi32> to vector<16xf32>
    %sub3A_344 = arith.constant 1.000000e+00 : f32
    %sub3A_345 = vector.broadcast %sub3A_344 : f32 to vector<16xf32>
    %sub3A_346 = arith.subf %bitcast3A_343, %sub3A_345 : vector<16xf32>
    %add3A_347 = arith.constant 1.000000e+00 : f32
    %add3A_348 = vector.broadcast %add3A_347 : f32 to vector<16xf32>
    %add3A_349 = arith.addf %bitcast3A_343, %add3A_348 : vector<16xf32>
    %div3A_350 = arith.divf %sub3A_346, %add3A_349 : vector<16xf32>
    %mul3A_351 = arith.mulf %div3A_350, %div3A_350 : vector<16xf32>
    %mul3A_352 = arith.constant 0.285714298 : f32
    %mul3A_353 = vector.broadcast %mul3A_352 : f32 to vector<16xf32>
    %mul3A_354 = arith.mulf %mul3A_351, %mul3A_353 : vector<16xf32>
    %add3A_355 = arith.constant 4.000000e-01 : f32
    %add3A_356 = vector.broadcast %add3A_355 : f32 to vector<16xf32>
    %add3A_357 = arith.addf %add3A_356, %mul3A_354 : vector<16xf32>
    %mul3A_358 = arith.mulf %mul3A_351, %add3A_357 : vector<16xf32>
    %add3A_359 = arith.constant 0.666666686 : f32
    %add3A_360 = vector.broadcast %add3A_359 : f32 to vector<16xf32>
    %add3A_361 = arith.addf %add3A_360, %mul3A_358 : vector<16xf32>
    %mul3A_362 = arith.mulf %mul3A_351, %add3A_361 : vector<16xf32>
    %add3A_363 = arith.constant 2.000000e+00 : f32
    %add3A_364 = vector.broadcast %add3A_363 : f32 to vector<16xf32>
    %add3A_365 = arith.addf %add3A_364, %mul3A_362 : vector<16xf32>
    %mul3A_366 = arith.mulf %div3A_350, %add3A_365 : vector<16xf32>
    %convert_element_type3A_367 = arith.sitofp %sub3A_336 : vector<16xi32> to vector<16xf32>
    %mul3A_368 = arith.constant 0.693147182 : f32
    %mul3A_369 = vector.broadcast %mul3A_368 : f32 to vector<16xf32>
    %mul3A_370 = arith.mulf %convert_element_type3A_367, %mul3A_369 : vector<16xf32>
    %add3A_371 = arith.addf %mul3A_370, %mul3A_366 : vector<16xf32>
    %sub3A_372 = arith.subf %add3A_371, %get3A_18 : vector<16xf32>
    %jit3A_373 = arith.constant 0.000000e+00 : f32
    %broadcast_in_dim3A_374 = vector.broadcast %jit3A_373 : f32 to vector<16xf32>
    %select_n3A_375 = arith.select %eq3A_49, %broadcast_in_dim3A_374, %sub3A_372 : vector<16xi1>, vector<16xf32>
    %add3A_376 = arith.addf %add3A_328, %select_n3A_375 : vector<16xf32>
    %add3A_377 = arith.addf %exp3A_77, %add3A_189 : vector<16xf32>
    %bitcast3A_378 = vector.bitcast %add3A_377 : vector<16xf32> to vector<16xi32>
    %shift_right_arithmetic3A_379 = arith.constant 23 : i32
    %shift_right_arithmetic3A_380 = vector.broadcast %shift_right_arithmetic3A_379 : i32 to vector<16xi32>
    %shift_right_arithmetic3A_381 = arith.shrsi %bitcast3A_378, %shift_right_arithmetic3A_380 : vector<16xi32>
    %sub3A_382 = arith.constant 127 : i32
    %sub3A_383 = vector.broadcast %sub3A_382 : i32 to vector<16xi32>
    %sub3A_384 = arith.subi %shift_right_arithmetic3A_381, %sub3A_383 : vector<16xi32>
    %and3A_385 = arith.constant 8388607 : i32
    %and3A_386 = vector.broadcast %and3A_385 : i32 to vector<16xi32>
    %and3A_387 = arith.andi %bitcast3A_378, %and3A_386 : vector<16xi32>
    %or3A_388 = arith.constant 1065353216 : i32
    %or3A_389 = vector.broadcast %or3A_388 : i32 to vector<16xi32>
    %or3A_390 = arith.ori %and3A_387, %or3A_389 : vector<16xi32>
    %bitcast3A_391 = vector.bitcast %or3A_390 : vector<16xi32> to vector<16xf32>
    %sub3A_392 = arith.constant 1.000000e+00 : f32
    %sub3A_393 = vector.broadcast %sub3A_392 : f32 to vector<16xf32>
    %sub3A_394 = arith.subf %bitcast3A_391, %sub3A_393 : vector<16xf32>
    %add3A_395 = arith.constant 1.000000e+00 : f32
    %add3A_396 = vector.broadcast %add3A_395 : f32 to vector<16xf32>
    %add3A_397 = arith.addf %bitcast3A_391, %add3A_396 : vector<16xf32>
    %div3A_398 = arith.divf %sub3A_394, %add3A_397 : vector<16xf32>
    %mul3A_399 = arith.mulf %div3A_398, %div3A_398 : vector<16xf32>
    %mul3A_400 = arith.constant 0.285714298 : f32
    %mul3A_401 = vector.broadcast %mul3A_400 : f32 to vector<16xf32>
    %mul3A_402 = arith.mulf %mul3A_399, %mul3A_401 : vector<16xf32>
    %add3A_403 = arith.constant 4.000000e-01 : f32
    %add3A_404 = vector.broadcast %add3A_403 : f32 to vector<16xf32>
    %add3A_405 = arith.addf %add3A_404, %mul3A_402 : vector<16xf32>
    %mul3A_406 = arith.mulf %mul3A_399, %add3A_405 : vector<16xf32>
    %add3A_407 = arith.constant 0.666666686 : f32
    %add3A_408 = vector.broadcast %add3A_407 : f32 to vector<16xf32>
    %add3A_409 = arith.addf %add3A_408, %mul3A_406 : vector<16xf32>
    %mul3A_410 = arith.mulf %mul3A_399, %add3A_409 : vector<16xf32>
    %add3A_411 = arith.constant 2.000000e+00 : f32
    %add3A_412 = vector.broadcast %add3A_411 : f32 to vector<16xf32>
    %add3A_413 = arith.addf %add3A_412, %mul3A_410 : vector<16xf32>
    %mul3A_414 = arith.mulf %div3A_398, %add3A_413 : vector<16xf32>
    %convert_element_type3A_415 = arith.sitofp %sub3A_384 : vector<16xi32> to vector<16xf32>
    %mul3A_416 = arith.constant 0.693147182 : f32
    %mul3A_417 = vector.broadcast %mul3A_416 : f32 to vector<16xf32>
    %mul3A_418 = arith.mulf %convert_element_type3A_415, %mul3A_417 : vector<16xf32>
    %add3A_419 = arith.addf %mul3A_418, %mul3A_414 : vector<16xf32>
    %sub3A_420 = arith.subf %add3A_419, %get3A_20 : vector<16xf32>
    %jit3A_421 = arith.constant 0.000000e+00 : f32
    %broadcast_in_dim3A_422 = vector.broadcast %jit3A_421 : f32 to vector<16xf32>
    %select_n3A_423 = arith.select %eq3A_55, %broadcast_in_dim3A_422, %sub3A_420 : vector<16xi1>, vector<16xf32>
    %add3A_424 = arith.addf %add3A_376, %select_n3A_423 : vector<16xf32>
    %add3A_425 = arith.addf %exp3A_78, %add3A_189 : vector<16xf32>
    %bitcast3A_426 = vector.bitcast %add3A_425 : vector<16xf32> to vector<16xi32>
    %shift_right_arithmetic3A_427 = arith.constant 23 : i32
    %shift_right_arithmetic3A_428 = vector.broadcast %shift_right_arithmetic3A_427 : i32 to vector<16xi32>
    %shift_right_arithmetic3A_429 = arith.shrsi %bitcast3A_426, %shift_right_arithmetic3A_428 : vector<16xi32>
    %sub3A_430 = arith.constant 127 : i32
    %sub3A_431 = vector.broadcast %sub3A_430 : i32 to vector<16xi32>
    %sub3A_432 = arith.subi %shift_right_arithmetic3A_429, %sub3A_431 : vector<16xi32>
    %and3A_433 = arith.constant 8388607 : i32
    %and3A_434 = vector.broadcast %and3A_433 : i32 to vector<16xi32>
    %and3A_435 = arith.andi %bitcast3A_426, %and3A_434 : vector<16xi32>
    %or3A_436 = arith.constant 1065353216 : i32
    %or3A_437 = vector.broadcast %or3A_436 : i32 to vector<16xi32>
    %or3A_438 = arith.ori %and3A_435, %or3A_437 : vector<16xi32>
    %bitcast3A_439 = vector.bitcast %or3A_438 : vector<16xi32> to vector<16xf32>
    %sub3A_440 = arith.constant 1.000000e+00 : f32
    %sub3A_441 = vector.broadcast %sub3A_440 : f32 to vector<16xf32>
    %sub3A_442 = arith.subf %bitcast3A_439, %sub3A_441 : vector<16xf32>
    %add3A_443 = arith.constant 1.000000e+00 : f32
    %add3A_444 = vector.broadcast %add3A_443 : f32 to vector<16xf32>
    %add3A_445 = arith.addf %bitcast3A_439, %add3A_444 : vector<16xf32>
    %div3A_446 = arith.divf %sub3A_442, %add3A_445 : vector<16xf32>
    %mul3A_447 = arith.mulf %div3A_446, %div3A_446 : vector<16xf32>
    %mul3A_448 = arith.constant 0.285714298 : f32
    %mul3A_449 = vector.broadcast %mul3A_448 : f32 to vector<16xf32>
    %mul3A_450 = arith.mulf %mul3A_447, %mul3A_449 : vector<16xf32>
    %add3A_451 = arith.constant 4.000000e-01 : f32
    %add3A_452 = vector.broadcast %add3A_451 : f32 to vector<16xf32>
    %add3A_453 = arith.addf %add3A_452, %mul3A_450 : vector<16xf32>
    %mul3A_454 = arith.mulf %mul3A_447, %add3A_453 : vector<16xf32>
    %add3A_455 = arith.constant 0.666666686 : f32
    %add3A_456 = vector.broadcast %add3A_455 : f32 to vector<16xf32>
    %add3A_457 = arith.addf %add3A_456, %mul3A_454 : vector<16xf32>
    %mul3A_458 = arith.mulf %mul3A_447, %add3A_457 : vector<16xf32>
    %add3A_459 = arith.constant 2.000000e+00 : f32
    %add3A_460 = vector.broadcast %add3A_459 : f32 to vector<16xf32>
    %add3A_461 = arith.addf %add3A_460, %mul3A_458 : vector<16xf32>
    %mul3A_462 = arith.mulf %div3A_446, %add3A_461 : vector<16xf32>
    %convert_element_type3A_463 = arith.sitofp %sub3A_432 : vector<16xi32> to vector<16xf32>
    %mul3A_464 = arith.constant 0.693147182 : f32
    %mul3A_465 = vector.broadcast %mul3A_464 : f32 to vector<16xf32>
    %mul3A_466 = arith.mulf %convert_element_type3A_463, %mul3A_465 : vector<16xf32>
    %add3A_467 = arith.addf %mul3A_466, %mul3A_462 : vector<16xf32>
    %sub3A_468 = arith.subf %add3A_467, %get3A_22 : vector<16xf32>
    %jit3A_469 = arith.constant 0.000000e+00 : f32
    %broadcast_in_dim3A_470 = vector.broadcast %jit3A_469 : f32 to vector<16xf32>
    %select_n3A_471 = arith.select %eq3A_61, %broadcast_in_dim3A_470, %sub3A_468 : vector<16xi1>, vector<16xf32>
    %add3A_472 = arith.addf %add3A_424, %select_n3A_471 : vector<16xf32>
    %add3A_473 = arith.addf %exp3A_79, %add3A_189 : vector<16xf32>
    %bitcast3A_474 = vector.bitcast %add3A_473 : vector<16xf32> to vector<16xi32>
    %shift_right_arithmetic3A_475 = arith.constant 23 : i32
    %shift_right_arithmetic3A_476 = vector.broadcast %shift_right_arithmetic3A_475 : i32 to vector<16xi32>
    %shift_right_arithmetic3A_477 = arith.shrsi %bitcast3A_474, %shift_right_arithmetic3A_476 : vector<16xi32>
    %sub3A_478 = arith.constant 127 : i32
    %sub3A_479 = vector.broadcast %sub3A_478 : i32 to vector<16xi32>
    %sub3A_480 = arith.subi %shift_right_arithmetic3A_477, %sub3A_479 : vector<16xi32>
    %and3A_481 = arith.constant 8388607 : i32
    %and3A_482 = vector.broadcast %and3A_481 : i32 to vector<16xi32>
    %and3A_483 = arith.andi %bitcast3A_474, %and3A_482 : vector<16xi32>
    %or3A_484 = arith.constant 1065353216 : i32
    %or3A_485 = vector.broadcast %or3A_484 : i32 to vector<16xi32>
    %or3A_486 = arith.ori %and3A_483, %or3A_485 : vector<16xi32>
    %bitcast3A_487 = vector.bitcast %or3A_486 : vector<16xi32> to vector<16xf32>
    %sub3A_488 = arith.constant 1.000000e+00 : f32
    %sub3A_489 = vector.broadcast %sub3A_488 : f32 to vector<16xf32>
    %sub3A_490 = arith.subf %bitcast3A_487, %sub3A_489 : vector<16xf32>
    %add3A_491 = arith.constant 1.000000e+00 : f32
    %add3A_492 = vector.broadcast %add3A_491 : f32 to vector<16xf32>
    %add3A_493 = arith.addf %bitcast3A_487, %add3A_492 : vector<16xf32>
    %div3A_494 = arith.divf %sub3A_490, %add3A_493 : vector<16xf32>
    %mul3A_495 = arith.mulf %div3A_494, %div3A_494 : vector<16xf32>
    %mul3A_496 = arith.constant 0.285714298 : f32
    %mul3A_497 = vector.broadcast %mul3A_496 : f32 to vector<16xf32>
    %mul3A_498 = arith.mulf %mul3A_495, %mul3A_497 : vector<16xf32>
    %add3A_499 = arith.constant 4.000000e-01 : f32
    %add3A_500 = vector.broadcast %add3A_499 : f32 to vector<16xf32>
    %add3A_501 = arith.addf %add3A_500, %mul3A_498 : vector<16xf32>
    %mul3A_502 = arith.mulf %mul3A_495, %add3A_501 : vector<16xf32>
    %add3A_503 = arith.constant 0.666666686 : f32
    %add3A_504 = vector.broadcast %add3A_503 : f32 to vector<16xf32>
    %add3A_505 = arith.addf %add3A_504, %mul3A_502 : vector<16xf32>
    %mul3A_506 = arith.mulf %mul3A_495, %add3A_505 : vector<16xf32>
    %add3A_507 = arith.constant 2.000000e+00 : f32
    %add3A_508 = vector.broadcast %add3A_507 : f32 to vector<16xf32>
    %add3A_509 = arith.addf %add3A_508, %mul3A_506 : vector<16xf32>
    %mul3A_510 = arith.mulf %div3A_494, %add3A_509 : vector<16xf32>
    %convert_element_type3A_511 = arith.sitofp %sub3A_480 : vector<16xi32> to vector<16xf32>
    %mul3A_512 = arith.constant 0.693147182 : f32
    %mul3A_513 = vector.broadcast %mul3A_512 : f32 to vector<16xf32>
    %mul3A_514 = arith.mulf %convert_element_type3A_511, %mul3A_513 : vector<16xf32>
    %add3A_515 = arith.addf %mul3A_514, %mul3A_510 : vector<16xf32>
    %sub3A_516 = arith.subf %add3A_515, %get3A_24 : vector<16xf32>
    %jit3A_517 = arith.constant 0.000000e+00 : f32
    %broadcast_in_dim3A_518 = vector.broadcast %jit3A_517 : f32 to vector<16xf32>
    %select_n3A_519 = arith.select %eq3A_67, %broadcast_in_dim3A_518, %sub3A_516 : vector<16xi1>, vector<16xf32>
    %add3A_520 = arith.addf %add3A_472, %select_n3A_519 : vector<16xf32>
    %add3A_521 = arith.addf %exp3A_80, %add3A_189 : vector<16xf32>
    %bitcast3A_522 = vector.bitcast %add3A_521 : vector<16xf32> to vector<16xi32>
    %shift_right_arithmetic3A_523 = arith.constant 23 : i32
    %shift_right_arithmetic3A_524 = vector.broadcast %shift_right_arithmetic3A_523 : i32 to vector<16xi32>
    %shift_right_arithmetic3A_525 = arith.shrsi %bitcast3A_522, %shift_right_arithmetic3A_524 : vector<16xi32>
    %sub3A_526 = arith.constant 127 : i32
    %sub3A_527 = vector.broadcast %sub3A_526 : i32 to vector<16xi32>
    %sub3A_528 = arith.subi %shift_right_arithmetic3A_525, %sub3A_527 : vector<16xi32>
    %and3A_529 = arith.constant 8388607 : i32
    %and3A_530 = vector.broadcast %and3A_529 : i32 to vector<16xi32>
    %and3A_531 = arith.andi %bitcast3A_522, %and3A_530 : vector<16xi32>
    %or3A_532 = arith.constant 1065353216 : i32
    %or3A_533 = vector.broadcast %or3A_532 : i32 to vector<16xi32>
    %or3A_534 = arith.ori %and3A_531, %or3A_533 : vector<16xi32>
    %bitcast3A_535 = vector.bitcast %or3A_534 : vector<16xi32> to vector<16xf32>
    %sub3A_536 = arith.constant 1.000000e+00 : f32
    %sub3A_537 = vector.broadcast %sub3A_536 : f32 to vector<16xf32>
    %sub3A_538 = arith.subf %bitcast3A_535, %sub3A_537 : vector<16xf32>
    %add3A_539 = arith.constant 1.000000e+00 : f32
    %add3A_540 = vector.broadcast %add3A_539 : f32 to vector<16xf32>
    %add3A_541 = arith.addf %bitcast3A_535, %add3A_540 : vector<16xf32>
    %div3A_542 = arith.divf %sub3A_538, %add3A_541 : vector<16xf32>
    %mul3A_543 = arith.mulf %div3A_542, %div3A_542 : vector<16xf32>
    %mul3A_544 = arith.constant 0.285714298 : f32
    %mul3A_545 = vector.broadcast %mul3A_544 : f32 to vector<16xf32>
    %mul3A_546 = arith.mulf %mul3A_543, %mul3A_545 : vector<16xf32>
    %add3A_547 = arith.constant 4.000000e-01 : f32
    %add3A_548 = vector.broadcast %add3A_547 : f32 to vector<16xf32>
    %add3A_549 = arith.addf %add3A_548, %mul3A_546 : vector<16xf32>
    %mul3A_550 = arith.mulf %mul3A_543, %add3A_549 : vector<16xf32>
    %add3A_551 = arith.constant 0.666666686 : f32
    %add3A_552 = vector.broadcast %add3A_551 : f32 to vector<16xf32>
    %add3A_553 = arith.addf %add3A_552, %mul3A_550 : vector<16xf32>
    %mul3A_554 = arith.mulf %mul3A_543, %add3A_553 : vector<16xf32>
    %add3A_555 = arith.constant 2.000000e+00 : f32
    %add3A_556 = vector.broadcast %add3A_555 : f32 to vector<16xf32>
    %add3A_557 = arith.addf %add3A_556, %mul3A_554 : vector<16xf32>
    %mul3A_558 = arith.mulf %div3A_542, %add3A_557 : vector<16xf32>
    %convert_element_type3A_559 = arith.sitofp %sub3A_528 : vector<16xi32> to vector<16xf32>
    %mul3A_560 = arith.constant 0.693147182 : f32
    %mul3A_561 = vector.broadcast %mul3A_560 : f32 to vector<16xf32>
    %mul3A_562 = arith.mulf %convert_element_type3A_559, %mul3A_561 : vector<16xf32>
    %add3A_563 = arith.addf %mul3A_562, %mul3A_558 : vector<16xf32>
    %sub3A_564 = arith.subf %add3A_563, %get3A_26 : vector<16xf32>
    %jit3A_565 = arith.constant 0.000000e+00 : f32
    %broadcast_in_dim3A_566 = vector.broadcast %jit3A_565 : f32 to vector<16xf32>
    %select_n3A_567 = arith.select %eq3A_73, %broadcast_in_dim3A_566, %sub3A_564 : vector<16xi1>, vector<16xf32>
    %add3A_568 = arith.addf %add3A_520, %select_n3A_567 : vector<16xf32>
    %get3A_569 = arith.constant 256 : index
    %get3A_570 = tpu.vector_load %arg4[%get3A_569] {strides = array<i32>} : memref<512xf32, #tpu.memory_space<vmem>>, vector<16xf32>,
    %get3A_571 = arith.constant 272 : index
    %get3A_572 = tpu.vector_load %arg4[%get3A_571] {strides = array<i32>} : memref<512xf32, #tpu.memory_space<vmem>>, vector<16xf32>,
    %get3A_573 = arith.constant 288 : index
    %get3A_574 = tpu.vector_load %arg4[%get3A_573] {strides = array<i32>} : memref<512xf32, #tpu.memory_space<vmem>>, vector<16xf32>,
    %get3A_575 = arith.constant 304 : index
    %get3A_576 = tpu.vector_load %arg4[%get3A_575] {strides = array<i32>} : memref<512xf32, #tpu.memory_space<vmem>>, vector<16xf32>,
    %get3A_577 = arith.constant 320 : index
    %get3A_578 = tpu.vector_load %arg4[%get3A_577] {strides = array<i32>} : memref<512xf32, #tpu.memory_space<vmem>>, vector<16xf32>,
    %get3A_579 = arith.constant 336 : index
    %get3A_580 = tpu.vector_load %arg4[%get3A_579] {strides = array<i32>} : memref<512xf32, #tpu.memory_space<vmem>>, vector<16xf32>,
    %get3A_581 = arith.constant 352 : index
    %get3A_582 = tpu.vector_load %arg4[%get3A_581] {strides = array<i32>} : memref<512xf32, #tpu.memory_space<vmem>>, vector<16xf32>,
    %get3A_583 = arith.constant 368 : index
    %get3A_584 = tpu.vector_load %arg4[%get3A_583] {strides = array<i32>} : memref<512xf32, #tpu.memory_space<vmem>>, vector<16xf32>,
    %get3A_585 = arith.constant 384 : index
    %get3A_586 = tpu.vector_load %arg4[%get3A_585] {strides = array<i32>} : memref<512xf32, #tpu.memory_space<vmem>>, vector<16xf32>,
    %bitcast3A_587 = vector.bitcast %get3A_586 : vector<16xf32> to vector<16xi32>
    %eq3A_588 = arith.constant 0 : i32
    %eq3A_589 = vector.broadcast %eq3A_588 : i32 to vector<16xi32>
    %eq3A_590 = arith.cmpi eq, %bitcast3A_587, %eq3A_589 : vector<16xi32>
    %get3A_591 = arith.constant 400 : index
    %get3A_592 = tpu.vector_load %arg4[%get3A_591] {strides = array<i32>} : memref<512xf32, #tpu.memory_space<vmem>>, vector<16xf32>,
    %bitcast3A_593 = vector.bitcast %get3A_592 : vector<16xf32> to vector<16xi32>
    %eq3A_594 = arith.constant 0 : i32
    %eq3A_595 = vector.broadcast %eq3A_594 : i32 to vector<16xi32>
    %eq3A_596 = arith.cmpi eq, %bitcast3A_593, %eq3A_595 : vector<16xi32>
    %get3A_597 = arith.constant 416 : index
    %get3A_598 = tpu.vector_load %arg4[%get3A_597] {strides = array<i32>} : memref<512xf32, #tpu.memory_space<vmem>>, vector<16xf32>,
    %bitcast3A_599 = vector.bitcast %get3A_598 : vector<16xf32> to vector<16xi32>
    %eq3A_600 = arith.constant 0 : i32
    %eq3A_601 = vector.broadcast %eq3A_600 : i32 to vector<16xi32>
    %eq3A_602 = arith.cmpi eq, %bitcast3A_599, %eq3A_601 : vector<16xi32>
    %get3A_603 = arith.constant 432 : index
    %get3A_604 = tpu.vector_load %arg4[%get3A_603] {strides = array<i32>} : memref<512xf32, #tpu.memory_space<vmem>>, vector<16xf32>,
    %bitcast3A_605 = vector.bitcast %get3A_604 : vector<16xf32> to vector<16xi32>
    %eq3A_606 = arith.constant 0 : i32
    %eq3A_607 = vector.broadcast %eq3A_606 : i32 to vector<16xi32>
    %eq3A_608 = arith.cmpi eq, %bitcast3A_605, %eq3A_607 : vector<16xi32>
    %get3A_609 = arith.constant 448 : index
    %get3A_610 = tpu.vector_load %arg4[%get3A_609] {strides = array<i32>} : memref<512xf32, #tpu.memory_space<vmem>>, vector<16xf32>,
    %bitcast3A_611 = vector.bitcast %get3A_610 : vector<16xf32> to vector<16xi32>
    %eq3A_612 = arith.constant 0 : i32
    %eq3A_613 = vector.broadcast %eq3A_612 : i32 to vector<16xi32>
    %eq3A_614 = arith.cmpi eq, %bitcast3A_611, %eq3A_613 : vector<16xi32>
    %get3A_615 = arith.constant 464 : index
    %get3A_616 = tpu.vector_load %arg4[%get3A_615] {strides = array<i32>} : memref<512xf32, #tpu.memory_space<vmem>>, vector<16xf32>,
    %bitcast3A_617 = vector.bitcast %get3A_616 : vector<16xf32> to vector<16xi32>
    %eq3A_618 = arith.constant 0 : i32
    %eq3A_619 = vector.broadcast %eq3A_618 : i32 to vector<16xi32>
    %eq3A_620 = arith.cmpi eq, %bitcast3A_617, %eq3A_619 : vector<16xi32>
    %get3A_621 = arith.constant 480 : index
    %get3A_622 = tpu.vector_load %arg4[%get3A_621] {strides = array<i32>} : memref<512xf32, #tpu.memory_space<vmem>>, vector<16xf32>,
    %bitcast3A_623 = vector.bitcast %get3A_622 : vector<16xf32> to vector<16xi32>
    %eq3A_624 = arith.constant 0 : i32
    %eq3A_625 = vector.broadcast %eq3A_624 : i32 to vector<16xi32>
    %eq3A_626 = arith.cmpi eq, %bitcast3A_623, %eq3A_625 : vector<16xi32>
    %get3A_627 = arith.constant 496 : index
    %get3A_628 = tpu.vector_load %arg4[%get3A_627] {strides = array<i32>} : memref<512xf32, #tpu.memory_space<vmem>>, vector<16xf32>,
    %bitcast3A_629 = vector.bitcast %get3A_628 : vector<16xf32> to vector<16xi32>
    %eq3A_630 = arith.constant 0 : i32
    %eq3A_631 = vector.broadcast %eq3A_630 : i32 to vector<16xi32>
    %eq3A_632 = arith.cmpi eq, %bitcast3A_629, %eq3A_631 : vector<16xi32>
    %exp3A_633 = math.exp %get3A_570 : vector<16xf32>
    %exp3A_634 = math.exp %get3A_572 : vector<16xf32>
    %exp3A_635 = math.exp %get3A_574 : vector<16xf32>
    %exp3A_636 = math.exp %get3A_576 : vector<16xf32>
    %exp3A_637 = math.exp %get3A_578 : vector<16xf32>
    %exp3A_638 = math.exp %get3A_580 : vector<16xf32>
    %exp3A_639 = math.exp %get3A_582 : vector<16xf32>
    %exp3A_640 = math.exp %get3A_584 : vector<16xf32>
    %broadcast_in_dim3A_641 = arith.constant 0.000000e+00 : f32
    %broadcast_in_dim3A_642 = vector.broadcast %broadcast_in_dim3A_641 : f32 to vector<16xf32>
    %jit3A_643 = arith.constant 0.000000e+00 : f32
    %broadcast_in_dim3A_644 = vector.broadcast %jit3A_643 : f32 to vector<16xf32>
    %select_n3A_645 = arith.select %eq3A_590, %exp3A_633, %broadcast_in_dim3A_644 : vector<16xi1>, vector<16xf32>
    %add3A_646 = arith.addf %broadcast_in_dim3A_642, %select_n3A_645 : vector<16xf32>
    %jit3A_647 = arith.constant 0.000000e+00 : f32
    %jit3A_648 = arith.constant 1.000000e+00 : f32
    %broadcast_in_dim3A_649 = vector.broadcast %jit3A_647 : f32 to vector<16xf32>
    %broadcast_in_dim3A_650 = vector.broadcast %jit3A_648 : f32 to vector<16xf32>
    %select_n3A_651 = arith.select %eq3A_590, %broadcast_in_dim3A_649, %broadcast_in_dim3A_650 : vector<16xi1>, vector<16xf32>
    %add3A_652 = arith.addf %add3A_160, %select_n3A_651 : vector<16xf32>
    %jit3A_653 = arith.constant 0.000000e+00 : f32
    %broadcast_in_dim3A_654 = vector.broadcast %jit3A_653 : f32 to vector<16xf32>
    %select_n3A_655 = arith.select %eq3A_596, %exp3A_634, %broadcast_in_dim3A_654 : vector<16xi1>, vector<16xf32>
    %add3A_656 = arith.addf %add3A_646, %select_n3A_655 : vector<16xf32>
    %jit3A_657 = arith.constant 0.000000e+00 : f32
    %jit3A_658 = arith.constant 1.000000e+00 : f32
    %broadcast_in_dim3A_659 = vector.broadcast %jit3A_657 : f32 to vector<16xf32>
    %broadcast_in_dim3A_660 = vector.broadcast %jit3A_658 : f32 to vector<16xf32>
    %select_n3A_661 = arith.select %eq3A_596, %broadcast_in_dim3A_659, %broadcast_in_dim3A_660 : vector<16xi1>, vector<16xf32>
    %add3A_662 = arith.addf %add3A_652, %select_n3A_661 : vector<16xf32>
    %jit3A_663 = arith.constant 0.000000e+00 : f32
    %broadcast_in_dim3A_664 = vector.broadcast %jit3A_663 : f32 to vector<16xf32>
    %select_n3A_665 = arith.select %eq3A_602, %exp3A_635, %broadcast_in_dim3A_664 : vector<16xi1>, vector<16xf32>
    %add3A_666 = arith.addf %add3A_656, %select_n3A_665 : vector<16xf32>
    %jit3A_667 = arith.constant 0.000000e+00 : f32
    %jit3A_668 = arith.constant 1.000000e+00 : f32
    %broadcast_in_dim3A_669 = vector.broadcast %jit3A_667 : f32 to vector<16xf32>
    %broadcast_in_dim3A_670 = vector.broadcast %jit3A_668 : f32 to vector<16xf32>
    %select_n3A_671 = arith.select %eq3A_602, %broadcast_in_dim3A_669, %broadcast_in_dim3A_670 : vector<16xi1>, vector<16xf32>
    %add3A_672 = arith.addf %add3A_662, %select_n3A_671 : vector<16xf32>
    %jit3A_673 = arith.constant 0.000000e+00 : f32
    %broadcast_in_dim3A_674 = vector.broadcast %jit3A_673 : f32 to vector<16xf32>
    %select_n3A_675 = arith.select %eq3A_608, %exp3A_636, %broadcast_in_dim3A_674 : vector<16xi1>, vector<16xf32>
    %add3A_676 = arith.addf %add3A_666, %select_n3A_675 : vector<16xf32>
    %jit3A_677 = arith.constant 0.000000e+00 : f32
    %jit3A_678 = arith.constant 1.000000e+00 : f32
    %broadcast_in_dim3A_679 = vector.broadcast %jit3A_677 : f32 to vector<16xf32>
    %broadcast_in_dim3A_680 = vector.broadcast %jit3A_678 : f32 to vector<16xf32>
    %select_n3A_681 = arith.select %eq3A_608, %broadcast_in_dim3A_679, %broadcast_in_dim3A_680 : vector<16xi1>, vector<16xf32>
    %add3A_682 = arith.addf %add3A_672, %select_n3A_681 : vector<16xf32>
    %jit3A_683 = arith.constant 0.000000e+00 : f32
    %broadcast_in_dim3A_684 = vector.broadcast %jit3A_683 : f32 to vector<16xf32>
    %select_n3A_685 = arith.select %eq3A_614, %exp3A_637, %broadcast_in_dim3A_684 : vector<16xi1>, vector<16xf32>
    %add3A_686 = arith.addf %add3A_676, %select_n3A_685 : vector<16xf32>
    %jit3A_687 = arith.constant 0.000000e+00 : f32
    %jit3A_688 = arith.constant 1.000000e+00 : f32
    %broadcast_in_dim3A_689 = vector.broadcast %jit3A_687 : f32 to vector<16xf32>
    %broadcast_in_dim3A_690 = vector.broadcast %jit3A_688 : f32 to vector<16xf32>
    %select_n3A_691 = arith.select %eq3A_614, %broadcast_in_dim3A_689, %broadcast_in_dim3A_690 : vector<16xi1>, vector<16xf32>
    %add3A_692 = arith.addf %add3A_682, %select_n3A_691 : vector<16xf32>
    %jit3A_693 = arith.constant 0.000000e+00 : f32
    %broadcast_in_dim3A_694 = vector.broadcast %jit3A_693 : f32 to vector<16xf32>
    %select_n3A_695 = arith.select %eq3A_620, %exp3A_638, %broadcast_in_dim3A_694 : vector<16xi1>, vector<16xf32>
    %add3A_696 = arith.addf %add3A_686, %select_n3A_695 : vector<16xf32>
    %jit3A_697 = arith.constant 0.000000e+00 : f32
    %jit3A_698 = arith.constant 1.000000e+00 : f32
    %broadcast_in_dim3A_699 = vector.broadcast %jit3A_697 : f32 to vector<16xf32>
    %broadcast_in_dim3A_700 = vector.broadcast %jit3A_698 : f32 to vector<16xf32>
    %select_n3A_701 = arith.select %eq3A_620, %broadcast_in_dim3A_699, %broadcast_in_dim3A_700 : vector<16xi1>, vector<16xf32>
    %add3A_702 = arith.addf %add3A_692, %select_n3A_701 : vector<16xf32>
    %jit3A_703 = arith.constant 0.000000e+00 : f32
    %broadcast_in_dim3A_704 = vector.broadcast %jit3A_703 : f32 to vector<16xf32>
    %select_n3A_705 = arith.select %eq3A_626, %exp3A_639, %broadcast_in_dim3A_704 : vector<16xi1>, vector<16xf32>
    %add3A_706 = arith.addf %add3A_696, %select_n3A_705 : vector<16xf32>
    %jit3A_707 = arith.constant 0.000000e+00 : f32
    %jit3A_708 = arith.constant 1.000000e+00 : f32
    %broadcast_in_dim3A_709 = vector.broadcast %jit3A_707 : f32 to vector<16xf32>
    %broadcast_in_dim3A_710 = vector.broadcast %jit3A_708 : f32 to vector<16xf32>
    %select_n3A_711 = arith.select %eq3A_626, %broadcast_in_dim3A_709, %broadcast_in_dim3A_710 : vector<16xi1>, vector<16xf32>
    %add3A_712 = arith.addf %add3A_702, %select_n3A_711 : vector<16xf32>
    %jit3A_713 = arith.constant 0.000000e+00 : f32
    %broadcast_in_dim3A_714 = vector.broadcast %jit3A_713 : f32 to vector<16xf32>
    %select_n3A_715 = arith.select %eq3A_632, %exp3A_640, %broadcast_in_dim3A_714 : vector<16xi1>, vector<16xf32>
    %add3A_716 = arith.addf %add3A_706, %select_n3A_715 : vector<16xf32>
    %jit3A_717 = arith.constant 0.000000e+00 : f32
    %jit3A_718 = arith.constant 1.000000e+00 : f32
    %broadcast_in_dim3A_719 = vector.broadcast %jit3A_717 : f32 to vector<16xf32>
    %broadcast_in_dim3A_720 = vector.broadcast %jit3A_718 : f32 to vector<16xf32>
    %select_n3A_721 = arith.select %eq3A_632, %broadcast_in_dim3A_719, %broadcast_in_dim3A_720 : vector<16xi1>, vector<16xf32>
    %add3A_722 = arith.addf %add3A_712, %select_n3A_721 : vector<16xf32>
    %iota3A_723 = tpu.iota {dimensions = array<i32: 0>} : vector<16xi32>
    %xor3A_724 = arith.constant 8 : i32
    %xor3A_725 = vector.broadcast %xor3A_724 : i32 to vector<16xi32>
    %xor3A_726 = arith.xori %iota3A_723, %xor3A_725 : vector<16xi32>
    %broadcast_in_dim3A_727 = vector.shape_cast %xor3A_726 : vector<16xi32> to vector<16x1xi32>
    %gather3A_728 = vector.shape_cast %broadcast_in_dim3A_727 : vector<16x1xi32> to vector<16xi32>
    %gather3A_729 = tpu.dynamic_gather %add3A_716[%gather3A_728] in [0] : vector<16xf32>, vector<16xi32> -> vector<16xf32>
    %add3A_730 = arith.addf %add3A_716, %gather3A_729 : vector<16xf32>
    %iota3A_731 = tpu.iota {dimensions = array<i32: 0>} : vector<16xi32>
    %xor3A_732 = arith.constant 4 : i32
    %xor3A_733 = vector.broadcast %xor3A_732 : i32 to vector<16xi32>
    %xor3A_734 = arith.xori %iota3A_731, %xor3A_733 : vector<16xi32>
    %broadcast_in_dim3A_735 = vector.shape_cast %xor3A_734 : vector<16xi32> to vector<16x1xi32>
    %gather3A_736 = vector.shape_cast %broadcast_in_dim3A_735 : vector<16x1xi32> to vector<16xi32>
    %gather3A_737 = tpu.dynamic_gather %add3A_730[%gather3A_736] in [0] : vector<16xf32>, vector<16xi32> -> vector<16xf32>
    %add3A_738 = arith.addf %add3A_730, %gather3A_737 : vector<16xf32>
    %iota3A_739 = tpu.iota {dimensions = array<i32: 0>} : vector<16xi32>
    %xor3A_740 = arith.constant 2 : i32
    %xor3A_741 = vector.broadcast %xor3A_740 : i32 to vector<16xi32>
    %xor3A_742 = arith.xori %iota3A_739, %xor3A_741 : vector<16xi32>
    %broadcast_in_dim3A_743 = vector.shape_cast %xor3A_742 : vector<16xi32> to vector<16x1xi32>
    %gather3A_744 = vector.shape_cast %broadcast_in_dim3A_743 : vector<16x1xi32> to vector<16xi32>
    %gather3A_745 = tpu.dynamic_gather %add3A_738[%gather3A_744] in [0] : vector<16xf32>, vector<16xi32> -> vector<16xf32>
    %add3A_746 = arith.addf %add3A_738, %gather3A_745 : vector<16xf32>
    %iota3A_747 = tpu.iota {dimensions = array<i32: 0>} : vector<16xi32>
    %xor3A_748 = arith.constant 1 : i32
    %xor3A_749 = vector.broadcast %xor3A_748 : i32 to vector<16xi32>
    %xor3A_750 = arith.xori %iota3A_747, %xor3A_749 : vector<16xi32>
    %broadcast_in_dim3A_751 = vector.shape_cast %xor3A_750 : vector<16xi32> to vector<16x1xi32>
    %gather3A_752 = vector.shape_cast %broadcast_in_dim3A_751 : vector<16x1xi32> to vector<16xi32>
    %gather3A_753 = tpu.dynamic_gather %add3A_746[%gather3A_752] in [0] : vector<16xf32>, vector<16xi32> -> vector<16xf32>
    %add3A_754 = arith.addf %add3A_746, %gather3A_753 : vector<16xf32>
    %add3A_755 = arith.addf %exp3A_633, %add3A_754 : vector<16xf32>
    %bitcast3A_756 = vector.bitcast %add3A_755 : vector<16xf32> to vector<16xi32>
    %shift_right_arithmetic3A_757 = arith.constant 23 : i32
    %shift_right_arithmetic3A_758 = vector.broadcast %shift_right_arithmetic3A_757 : i32 to vector<16xi32>
    %shift_right_arithmetic3A_759 = arith.shrsi %bitcast3A_756, %shift_right_arithmetic3A_758 : vector<16xi32>
    %sub3A_760 = arith.constant 127 : i32
    %sub3A_761 = vector.broadcast %sub3A_760 : i32 to vector<16xi32>
    %sub3A_762 = arith.subi %shift_right_arithmetic3A_759, %sub3A_761 : vector<16xi32>
    %and3A_763 = arith.constant 8388607 : i32
    %and3A_764 = vector.broadcast %and3A_763 : i32 to vector<16xi32>
    %and3A_765 = arith.andi %bitcast3A_756, %and3A_764 : vector<16xi32>
    %or3A_766 = arith.constant 1065353216 : i32
    %or3A_767 = vector.broadcast %or3A_766 : i32 to vector<16xi32>
    %or3A_768 = arith.ori %and3A_765, %or3A_767 : vector<16xi32>
    %bitcast3A_769 = vector.bitcast %or3A_768 : vector<16xi32> to vector<16xf32>
    %sub3A_770 = arith.constant 1.000000e+00 : f32
    %sub3A_771 = vector.broadcast %sub3A_770 : f32 to vector<16xf32>
    %sub3A_772 = arith.subf %bitcast3A_769, %sub3A_771 : vector<16xf32>
    %add3A_773 = arith.constant 1.000000e+00 : f32
    %add3A_774 = vector.broadcast %add3A_773 : f32 to vector<16xf32>
    %add3A_775 = arith.addf %bitcast3A_769, %add3A_774 : vector<16xf32>
    %div3A_776 = arith.divf %sub3A_772, %add3A_775 : vector<16xf32>
    %mul3A_777 = arith.mulf %div3A_776, %div3A_776 : vector<16xf32>
    %mul3A_778 = arith.constant 0.285714298 : f32
    %mul3A_779 = vector.broadcast %mul3A_778 : f32 to vector<16xf32>
    %mul3A_780 = arith.mulf %mul3A_777, %mul3A_779 : vector<16xf32>
    %add3A_781 = arith.constant 4.000000e-01 : f32
    %add3A_782 = vector.broadcast %add3A_781 : f32 to vector<16xf32>
    %add3A_783 = arith.addf %add3A_782, %mul3A_780 : vector<16xf32>
    %mul3A_784 = arith.mulf %mul3A_777, %add3A_783 : vector<16xf32>
    %add3A_785 = arith.constant 0.666666686 : f32
    %add3A_786 = vector.broadcast %add3A_785 : f32 to vector<16xf32>
    %add3A_787 = arith.addf %add3A_786, %mul3A_784 : vector<16xf32>
    %mul3A_788 = arith.mulf %mul3A_777, %add3A_787 : vector<16xf32>
    %add3A_789 = arith.constant 2.000000e+00 : f32
    %add3A_790 = vector.broadcast %add3A_789 : f32 to vector<16xf32>
    %add3A_791 = arith.addf %add3A_790, %mul3A_788 : vector<16xf32>
    %mul3A_792 = arith.mulf %div3A_776, %add3A_791 : vector<16xf32>
    %convert_element_type3A_793 = arith.sitofp %sub3A_762 : vector<16xi32> to vector<16xf32>
    %mul3A_794 = arith.constant 0.693147182 : f32
    %mul3A_795 = vector.broadcast %mul3A_794 : f32 to vector<16xf32>
    %mul3A_796 = arith.mulf %convert_element_type3A_793, %mul3A_795 : vector<16xf32>
    %add3A_797 = arith.addf %mul3A_796, %mul3A_792 : vector<16xf32>
    %sub3A_798 = arith.subf %add3A_797, %get3A_570 : vector<16xf32>
    %jit3A_799 = arith.constant 0.000000e+00 : f32
    %broadcast_in_dim3A_800 = vector.broadcast %jit3A_799 : f32 to vector<16xf32>
    %select_n3A_801 = arith.select %eq3A_590, %broadcast_in_dim3A_800, %sub3A_798 : vector<16xi1>, vector<16xf32>
    %add3A_802 = arith.addf %add3A_568, %select_n3A_801 : vector<16xf32>
    %add3A_803 = arith.addf %exp3A_634, %add3A_754 : vector<16xf32>
    %bitcast3A_804 = vector.bitcast %add3A_803 : vector<16xf32> to vector<16xi32>
    %shift_right_arithmetic3A_805 = arith.constant 23 : i32
    %shift_right_arithmetic3A_806 = vector.broadcast %shift_right_arithmetic3A_805 : i32 to vector<16xi32>
    %shift_right_arithmetic3A_807 = arith.shrsi %bitcast3A_804, %shift_right_arithmetic3A_806 : vector<16xi32>
    %sub3A_808 = arith.constant 127 : i32
    %sub3A_809 = vector.broadcast %sub3A_808 : i32 to vector<16xi32>
    %sub3A_810 = arith.subi %shift_right_arithmetic3A_807, %sub3A_809 : vector<16xi32>
    %and3A_811 = arith.constant 8388607 : i32
    %and3A_812 = vector.broadcast %and3A_811 : i32 to vector<16xi32>
    %and3A_813 = arith.andi %bitcast3A_804, %and3A_812 : vector<16xi32>
    %or3A_814 = arith.constant 1065353216 : i32
    %or3A_815 = vector.broadcast %or3A_814 : i32 to vector<16xi32>
    %or3A_816 = arith.ori %and3A_813, %or3A_815 : vector<16xi32>
    %bitcast3A_817 = vector.bitcast %or3A_816 : vector<16xi32> to vector<16xf32>
    %sub3A_818 = arith.constant 1.000000e+00 : f32
    %sub3A_819 = vector.broadcast %sub3A_818 : f32 to vector<16xf32>
    %sub3A_820 = arith.subf %bitcast3A_817, %sub3A_819 : vector<16xf32>
    %add3A_821 = arith.constant 1.000000e+00 : f32
    %add3A_822 = vector.broadcast %add3A_821 : f32 to vector<16xf32>
    %add3A_823 = arith.addf %bitcast3A_817, %add3A_822 : vector<16xf32>
    %div3A_824 = arith.divf %sub3A_820, %add3A_823 : vector<16xf32>
    %mul3A_825 = arith.mulf %div3A_824, %div3A_824 : vector<16xf32>
    %mul3A_826 = arith.constant 0.285714298 : f32
    %mul3A_827 = vector.broadcast %mul3A_826 : f32 to vector<16xf32>
    %mul3A_828 = arith.mulf %mul3A_825, %mul3A_827 : vector<16xf32>
    %add3A_829 = arith.constant 4.000000e-01 : f32
    %add3A_830 = vector.broadcast %add3A_829 : f32 to vector<16xf32>
    %add3A_831 = arith.addf %add3A_830, %mul3A_828 : vector<16xf32>
    %mul3A_832 = arith.mulf %mul3A_825, %add3A_831 : vector<16xf32>
    %add3A_833 = arith.constant 0.666666686 : f32
    %add3A_834 = vector.broadcast %add3A_833 : f32 to vector<16xf32>
    %add3A_835 = arith.addf %add3A_834, %mul3A_832 : vector<16xf32>
    %mul3A_836 = arith.mulf %mul3A_825, %add3A_835 : vector<16xf32>
    %add3A_837 = arith.constant 2.000000e+00 : f32
    %add3A_838 = vector.broadcast %add3A_837 : f32 to vector<16xf32>
    %add3A_839 = arith.addf %add3A_838, %mul3A_836 : vector<16xf32>
    %mul3A_840 = arith.mulf %div3A_824, %add3A_839 : vector<16xf32>
    %convert_element_type3A_841 = arith.sitofp %sub3A_810 : vector<16xi32> to vector<16xf32>
    %mul3A_842 = arith.constant 0.693147182 : f32
    %mul3A_843 = vector.broadcast %mul3A_842 : f32 to vector<16xf32>
    %mul3A_844 = arith.mulf %convert_element_type3A_841, %mul3A_843 : vector<16xf32>
    %add3A_845 = arith.addf %mul3A_844, %mul3A_840 : vector<16xf32>
    %sub3A_846 = arith.subf %add3A_845, %get3A_572 : vector<16xf32>
    %jit3A_847 = arith.constant 0.000000e+00 : f32
    %broadcast_in_dim3A_848 = vector.broadcast %jit3A_847 : f32 to vector<16xf32>
    %select_n3A_849 = arith.select %eq3A_596, %broadcast_in_dim3A_848, %sub3A_846 : vector<16xi1>, vector<16xf32>
    %add3A_850 = arith.addf %add3A_802, %select_n3A_849 : vector<16xf32>
    %add3A_851 = arith.addf %exp3A_635, %add3A_754 : vector<16xf32>
    %bitcast3A_852 = vector.bitcast %add3A_851 : vector<16xf32> to vector<16xi32>
    %shift_right_arithmetic3A_853 = arith.constant 23 : i32
    %shift_right_arithmetic3A_854 = vector.broadcast %shift_right_arithmetic3A_853 : i32 to vector<16xi32>
    %shift_right_arithmetic3A_855 = arith.shrsi %bitcast3A_852, %shift_right_arithmetic3A_854 : vector<16xi32>
    %sub3A_856 = arith.constant 127 : i32
    %sub3A_857 = vector.broadcast %sub3A_856 : i32 to vector<16xi32>
    %sub3A_858 = arith.subi %shift_right_arithmetic3A_855, %sub3A_857 : vector<16xi32>
    %and3A_859 = arith.constant 8388607 : i32
    %and3A_860 = vector.broadcast %and3A_859 : i32 to vector<16xi32>
    %and3A_861 = arith.andi %bitcast3A_852, %and3A_860 : vector<16xi32>
    %or3A_862 = arith.constant 1065353216 : i32
    %or3A_863 = vector.broadcast %or3A_862 : i32 to vector<16xi32>
    %or3A_864 = arith.ori %and3A_861, %or3A_863 : vector<16xi32>
    %bitcast3A_865 = vector.bitcast %or3A_864 : vector<16xi32> to vector<16xf32>
    %sub3A_866 = arith.constant 1.000000e+00 : f32
    %sub3A_867 = vector.broadcast %sub3A_866 : f32 to vector<16xf32>
    %sub3A_868 = arith.subf %bitcast3A_865, %sub3A_867 : vector<16xf32>
    %add3A_869 = arith.constant 1.000000e+00 : f32
    %add3A_870 = vector.broadcast %add3A_869 : f32 to vector<16xf32>
    %add3A_871 = arith.addf %bitcast3A_865, %add3A_870 : vector<16xf32>
    %div3A_872 = arith.divf %sub3A_868, %add3A_871 : vector<16xf32>
    %mul3A_873 = arith.mulf %div3A_872, %div3A_872 : vector<16xf32>
    %mul3A_874 = arith.constant 0.285714298 : f32
    %mul3A_875 = vector.broadcast %mul3A_874 : f32 to vector<16xf32>
    %mul3A_876 = arith.mulf %mul3A_873, %mul3A_875 : vector<16xf32>
    %add3A_877 = arith.constant 4.000000e-01 : f32
    %add3A_878 = vector.broadcast %add3A_877 : f32 to vector<16xf32>
    %add3A_879 = arith.addf %add3A_878, %mul3A_876 : vector<16xf32>
    %mul3A_880 = arith.mulf %mul3A_873, %add3A_879 : vector<16xf32>
    %add3A_881 = arith.constant 0.666666686 : f32
    %add3A_882 = vector.broadcast %add3A_881 : f32 to vector<16xf32>
    %add3A_883 = arith.addf %add3A_882, %mul3A_880 : vector<16xf32>
    %mul3A_884 = arith.mulf %mul3A_873, %add3A_883 : vector<16xf32>
    %add3A_885 = arith.constant 2.000000e+00 : f32
    %add3A_886 = vector.broadcast %add3A_885 : f32 to vector<16xf32>
    %add3A_887 = arith.addf %add3A_886, %mul3A_884 : vector<16xf32>
    %mul3A_888 = arith.mulf %div3A_872, %add3A_887 : vector<16xf32>
    %convert_element_type3A_889 = arith.sitofp %sub3A_858 : vector<16xi32> to vector<16xf32>
    %mul3A_890 = arith.constant 0.693147182 : f32
    %mul3A_891 = vector.broadcast %mul3A_890 : f32 to vector<16xf32>
    %mul3A_892 = arith.mulf %convert_element_type3A_889, %mul3A_891 : vector<16xf32>
    %add3A_893 = arith.addf %mul3A_892, %mul3A_888 : vector<16xf32>
    %sub3A_894 = arith.subf %add3A_893, %get3A_574 : vector<16xf32>
    %jit3A_895 = arith.constant 0.000000e+00 : f32
    %broadcast_in_dim3A_896 = vector.broadcast %jit3A_895 : f32 to vector<16xf32>
    %select_n3A_897 = arith.select %eq3A_602, %broadcast_in_dim3A_896, %sub3A_894 : vector<16xi1>, vector<16xf32>
    %add3A_898 = arith.addf %add3A_850, %select_n3A_897 : vector<16xf32>
    %add3A_899 = arith.addf %exp3A_636, %add3A_754 : vector<16xf32>
    %bitcast3A_900 = vector.bitcast %add3A_899 : vector<16xf32> to vector<16xi32>
    %shift_right_arithmetic3A_901 = arith.constant 23 : i32
    %shift_right_arithmetic3A_902 = vector.broadcast %shift_right_arithmetic3A_901 : i32 to vector<16xi32>
    %shift_right_arithmetic3A_903 = arith.shrsi %bitcast3A_900, %shift_right_arithmetic3A_902 : vector<16xi32>
    %sub3A_904 = arith.constant 127 : i32
    %sub3A_905 = vector.broadcast %sub3A_904 : i32 to vector<16xi32>
    %sub3A_906 = arith.subi %shift_right_arithmetic3A_903, %sub3A_905 : vector<16xi32>
    %and3A_907 = arith.constant 8388607 : i32
    %and3A_908 = vector.broadcast %and3A_907 : i32 to vector<16xi32>
    %and3A_909 = arith.andi %bitcast3A_900, %and3A_908 : vector<16xi32>
    %or3A_910 = arith.constant 1065353216 : i32
    %or3A_911 = vector.broadcast %or3A_910 : i32 to vector<16xi32>
    %or3A_912 = arith.ori %and3A_909, %or3A_911 : vector<16xi32>
    %bitcast3A_913 = vector.bitcast %or3A_912 : vector<16xi32> to vector<16xf32>
    %sub3A_914 = arith.constant 1.000000e+00 : f32
    %sub3A_915 = vector.broadcast %sub3A_914 : f32 to vector<16xf32>
    %sub3A_916 = arith.subf %bitcast3A_913, %sub3A_915 : vector<16xf32>
    %add3A_917 = arith.constant 1.000000e+00 : f32
    %add3A_918 = vector.broadcast %add3A_917 : f32 to vector<16xf32>
    %add3A_919 = arith.addf %bitcast3A_913, %add3A_918 : vector<16xf32>
    %div3A_920 = arith.divf %sub3A_916, %add3A_919 : vector<16xf32>
    %mul3A_921 = arith.mulf %div3A_920, %div3A_920 : vector<16xf32>
    %mul3A_922 = arith.constant 0.285714298 : f32
    %mul3A_923 = vector.broadcast %mul3A_922 : f32 to vector<16xf32>
    %mul3A_924 = arith.mulf %mul3A_921, %mul3A_923 : vector<16xf32>
    %add3A_925 = arith.constant 4.000000e-01 : f32
    %add3A_926 = vector.broadcast %add3A_925 : f32 to vector<16xf32>
    %add3A_927 = arith.addf %add3A_926, %mul3A_924 : vector<16xf32>
    %mul3A_928 = arith.mulf %mul3A_921, %add3A_927 : vector<16xf32>
    %add3A_929 = arith.constant 0.666666686 : f32
    %add3A_930 = vector.broadcast %add3A_929 : f32 to vector<16xf32>
    %add3A_931 = arith.addf %add3A_930, %mul3A_928 : vector<16xf32>
    %mul3A_932 = arith.mulf %mul3A_921, %add3A_931 : vector<16xf32>
    %add3A_933 = arith.constant 2.000000e+00 : f32
    %add3A_934 = vector.broadcast %add3A_933 : f32 to vector<16xf32>
    %add3A_935 = arith.addf %add3A_934, %mul3A_932 : vector<16xf32>
    %mul3A_936 = arith.mulf %div3A_920, %add3A_935 : vector<16xf32>
    %convert_element_type3A_937 = arith.sitofp %sub3A_906 : vector<16xi32> to vector<16xf32>
    %mul3A_938 = arith.constant 0.693147182 : f32
    %mul3A_939 = vector.broadcast %mul3A_938 : f32 to vector<16xf32>
    %mul3A_940 = arith.mulf %convert_element_type3A_937, %mul3A_939 : vector<16xf32>
    %add3A_941 = arith.addf %mul3A_940, %mul3A_936 : vector<16xf32>
    %sub3A_942 = arith.subf %add3A_941, %get3A_576 : vector<16xf32>
    %jit3A_943 = arith.constant 0.000000e+00 : f32
    %broadcast_in_dim3A_944 = vector.broadcast %jit3A_943 : f32 to vector<16xf32>
    %select_n3A_945 = arith.select %eq3A_608, %broadcast_in_dim3A_944, %sub3A_942 : vector<16xi1>, vector<16xf32>
    %add3A_946 = arith.addf %add3A_898, %select_n3A_945 : vector<16xf32>
    %add3A_947 = arith.addf %exp3A_637, %add3A_754 : vector<16xf32>
    %bitcast3A_948 = vector.bitcast %add3A_947 : vector<16xf32> to vector<16xi32>
    %shift_right_arithmetic3A_949 = arith.constant 23 : i32
    %shift_right_arithmetic3A_950 = vector.broadcast %shift_right_arithmetic3A_949 : i32 to vector<16xi32>
    %shift_right_arithmetic3A_951 = arith.shrsi %bitcast3A_948, %shift_right_arithmetic3A_950 : vector<16xi32>
    %sub3A_952 = arith.constant 127 : i32
    %sub3A_953 = vector.broadcast %sub3A_952 : i32 to vector<16xi32>
    %sub3A_954 = arith.subi %shift_right_arithmetic3A_951, %sub3A_953 : vector<16xi32>
    %and3A_955 = arith.constant 8388607 : i32
    %and3A_956 = vector.broadcast %and3A_955 : i32 to vector<16xi32>
    %and3A_957 = arith.andi %bitcast3A_948, %and3A_956 : vector<16xi32>
    %or3A_958 = arith.constant 1065353216 : i32
    %or3A_959 = vector.broadcast %or3A_958 : i32 to vector<16xi32>
    %or3A_960 = arith.ori %and3A_957, %or3A_959 : vector<16xi32>
    %bitcast3A_961 = vector.bitcast %or3A_960 : vector<16xi32> to vector<16xf32>
    %sub3A_962 = arith.constant 1.000000e+00 : f32
    %sub3A_963 = vector.broadcast %sub3A_962 : f32 to vector<16xf32>
    %sub3A_964 = arith.subf %bitcast3A_961, %sub3A_963 : vector<16xf32>
    %add3A_965 = arith.constant 1.000000e+00 : f32
    %add3A_966 = vector.broadcast %add3A_965 : f32 to vector<16xf32>
    %add3A_967 = arith.addf %bitcast3A_961, %add3A_966 : vector<16xf32>
    %div3A_968 = arith.divf %sub3A_964, %add3A_967 : vector<16xf32>
    %mul3A_969 = arith.mulf %div3A_968, %div3A_968 : vector<16xf32>
    %mul3A_970 = arith.constant 0.285714298 : f32
    %mul3A_971 = vector.broadcast %mul3A_970 : f32 to vector<16xf32>
    %mul3A_972 = arith.mulf %mul3A_969, %mul3A_971 : vector<16xf32>
    %add3A_973 = arith.constant 4.000000e-01 : f32
    %add3A_974 = vector.broadcast %add3A_973 : f32 to vector<16xf32>
    %add3A_975 = arith.addf %add3A_974, %mul3A_972 : vector<16xf32>
    %mul3A_976 = arith.mulf %mul3A_969, %add3A_975 : vector<16xf32>
    %add3A_977 = arith.constant 0.666666686 : f32
    %add3A_978 = vector.broadcast %add3A_977 : f32 to vector<16xf32>
    %add3A_979 = arith.addf %add3A_978, %mul3A_976 : vector<16xf32>
    %mul3A_980 = arith.mulf %mul3A_969, %add3A_979 : vector<16xf32>
    %add3A_981 = arith.constant 2.000000e+00 : f32
    %add3A_982 = vector.broadcast %add3A_981 : f32 to vector<16xf32>
    %add3A_983 = arith.addf %add3A_982, %mul3A_980 : vector<16xf32>
    %mul3A_984 = arith.mulf %div3A_968, %add3A_983 : vector<16xf32>
    %convert_element_type3A_985 = arith.sitofp %sub3A_954 : vector<16xi32> to vector<16xf32>
    %mul3A_986 = arith.constant 0.693147182 : f32
    %mul3A_987 = vector.broadcast %mul3A_986 : f32 to vector<16xf32>
    %mul3A_988 = arith.mulf %convert_element_type3A_985, %mul3A_987 : vector<16xf32>
    %add3A_989 = arith.addf %mul3A_988, %mul3A_984 : vector<16xf32>
    %sub3A_990 = arith.subf %add3A_989, %get3A_578 : vector<16xf32>
    %jit3A_991 = arith.constant 0.000000e+00 : f32
    %broadcast_in_dim3A_992 = vector.broadcast %jit3A_991 : f32 to vector<16xf32>
    %select_n3A_993 = arith.select %eq3A_614, %broadcast_in_dim3A_992, %sub3A_990 : vector<16xi1>, vector<16xf32>
    %add3A_994 = arith.addf %add3A_946, %select_n3A_993 : vector<16xf32>
    %add3A_995 = arith.addf %exp3A_638, %add3A_754 : vector<16xf32>
    %bitcast3A_996 = vector.bitcast %add3A_995 : vector<16xf32> to vector<16xi32>
    %shift_right_arithmetic3A_997 = arith.constant 23 : i32
    %shift_right_arithmetic3A_998 = vector.broadcast %shift_right_arithmetic3A_997 : i32 to vector<16xi32>
    %shift_right_arithmetic3A_999 = arith.shrsi %bitcast3A_996, %shift_right_arithmetic3A_998 : vector<16xi32>
    %sub3A_1000 = arith.constant 127 : i32
    %sub3A_1001 = vector.broadcast %sub3A_1000 : i32 to vector<16xi32>
    %sub3A_1002 = arith.subi %shift_right_arithmetic3A_999, %sub3A_1001 : vector<16xi32>
    %and3A_1003 = arith.constant 8388607 : i32
    %and3A_1004 = vector.broadcast %and3A_1003 : i32 to vector<16xi32>
    %and3A_1005 = arith.andi %bitcast3A_996, %and3A_1004 : vector<16xi32>
    %or3A_1006 = arith.constant 1065353216 : i32
    %or3A_1007 = vector.broadcast %or3A_1006 : i32 to vector<16xi32>
    %or3A_1008 = arith.ori %and3A_1005, %or3A_1007 : vector<16xi32>
    %bitcast3A_1009 = vector.bitcast %or3A_1008 : vector<16xi32> to vector<16xf32>
    %sub3A_1010 = arith.constant 1.000000e+00 : f32
    %sub3A_1011 = vector.broadcast %sub3A_1010 : f32 to vector<16xf32>
    %sub3A_1012 = arith.subf %bitcast3A_1009, %sub3A_1011 : vector<16xf32>
    %add3A_1013 = arith.constant 1.000000e+00 : f32
    %add3A_1014 = vector.broadcast %add3A_1013 : f32 to vector<16xf32>
    %add3A_1015 = arith.addf %bitcast3A_1009, %add3A_1014 : vector<16xf32>
    %div3A_1016 = arith.divf %sub3A_1012, %add3A_1015 : vector<16xf32>
    %mul3A_1017 = arith.mulf %div3A_1016, %div3A_1016 : vector<16xf32>
    %mul3A_1018 = arith.constant 0.285714298 : f32
    %mul3A_1019 = vector.broadcast %mul3A_1018 : f32 to vector<16xf32>
    %mul3A_1020 = arith.mulf %mul3A_1017, %mul3A_1019 : vector<16xf32>
    %add3A_1021 = arith.constant 4.000000e-01 : f32
    %add3A_1022 = vector.broadcast %add3A_1021 : f32 to vector<16xf32>
    %add3A_1023 = arith.addf %add3A_1022, %mul3A_1020 : vector<16xf32>
    %mul3A_1024 = arith.mulf %mul3A_1017, %add3A_1023 : vector<16xf32>
    %add3A_1025 = arith.constant 0.666666686 : f32
    %add3A_1026 = vector.broadcast %add3A_1025 : f32 to vector<16xf32>
    %add3A_1027 = arith.addf %add3A_1026, %mul3A_1024 : vector<16xf32>
    %mul3A_1028 = arith.mulf %mul3A_1017, %add3A_1027 : vector<16xf32>
    %add3A_1029 = arith.constant 2.000000e+00 : f32
    %add3A_1030 = vector.broadcast %add3A_1029 : f32 to vector<16xf32>
    %add3A_1031 = arith.addf %add3A_1030, %mul3A_1028 : vector<16xf32>
    %mul3A_1032 = arith.mulf %div3A_1016, %add3A_1031 : vector<16xf32>
    %convert_element_type3A_1033 = arith.sitofp %sub3A_1002 : vector<16xi32> to vector<16xf32>
    %mul3A_1034 = arith.constant 0.693147182 : f32
    %mul3A_1035 = vector.broadcast %mul3A_1034 : f32 to vector<16xf32>
    %mul3A_1036 = arith.mulf %convert_element_type3A_1033, %mul3A_1035 : vector<16xf32>
    %add3A_1037 = arith.addf %mul3A_1036, %mul3A_1032 : vector<16xf32>
    %sub3A_1038 = arith.subf %add3A_1037, %get3A_580 : vector<16xf32>
    %jit3A_1039 = arith.constant 0.000000e+00 : f32
    %broadcast_in_dim3A_1040 = vector.broadcast %jit3A_1039 : f32 to vector<16xf32>
    %select_n3A_1041 = arith.select %eq3A_620, %broadcast_in_dim3A_1040, %sub3A_1038 : vector<16xi1>, vector<16xf32>
    %add3A_1042 = arith.addf %add3A_994, %select_n3A_1041 : vector<16xf32>
    %add3A_1043 = arith.addf %exp3A_639, %add3A_754 : vector<16xf32>
    %bitcast3A_1044 = vector.bitcast %add3A_1043 : vector<16xf32> to vector<16xi32>
    %shift_right_arithmetic3A_1045 = arith.constant 23 : i32
    %shift_right_arithmetic3A_1046 = vector.broadcast %shift_right_arithmetic3A_1045 : i32 to vector<16xi32>
    %shift_right_arithmetic3A_1047 = arith.shrsi %bitcast3A_1044, %shift_right_arithmetic3A_1046 : vector<16xi32>
    %sub3A_1048 = arith.constant 127 : i32
    %sub3A_1049 = vector.broadcast %sub3A_1048 : i32 to vector<16xi32>
    %sub3A_1050 = arith.subi %shift_right_arithmetic3A_1047, %sub3A_1049 : vector<16xi32>
    %and3A_1051 = arith.constant 8388607 : i32
    %and3A_1052 = vector.broadcast %and3A_1051 : i32 to vector<16xi32>
    %and3A_1053 = arith.andi %bitcast3A_1044, %and3A_1052 : vector<16xi32>
    %or3A_1054 = arith.constant 1065353216 : i32
    %or3A_1055 = vector.broadcast %or3A_1054 : i32 to vector<16xi32>
    %or3A_1056 = arith.ori %and3A_1053, %or3A_1055 : vector<16xi32>
    %bitcast3A_1057 = vector.bitcast %or3A_1056 : vector<16xi32> to vector<16xf32>
    %sub3A_1058 = arith.constant 1.000000e+00 : f32
    %sub3A_1059 = vector.broadcast %sub3A_1058 : f32 to vector<16xf32>
    %sub3A_1060 = arith.subf %bitcast3A_1057, %sub3A_1059 : vector<16xf32>
    %add3A_1061 = arith.constant 1.000000e+00 : f32
    %add3A_1062 = vector.broadcast %add3A_1061 : f32 to vector<16xf32>
    %add3A_1063 = arith.addf %bitcast3A_1057, %add3A_1062 : vector<16xf32>
    %div3A_1064 = arith.divf %sub3A_1060, %add3A_1063 : vector<16xf32>
    %mul3A_1065 = arith.mulf %div3A_1064, %div3A_1064 : vector<16xf32>
    %mul3A_1066 = arith.constant 0.285714298 : f32
    %mul3A_1067 = vector.broadcast %mul3A_1066 : f32 to vector<16xf32>
    %mul3A_1068 = arith.mulf %mul3A_1065, %mul3A_1067 : vector<16xf32>
    %add3A_1069 = arith.constant 4.000000e-01 : f32
    %add3A_1070 = vector.broadcast %add3A_1069 : f32 to vector<16xf32>
    %add3A_1071 = arith.addf %add3A_1070, %mul3A_1068 : vector<16xf32>
    %mul3A_1072 = arith.mulf %mul3A_1065, %add3A_1071 : vector<16xf32>
    %add3A_1073 = arith.constant 0.666666686 : f32
    %add3A_1074 = vector.broadcast %add3A_1073 : f32 to vector<16xf32>
    %add3A_1075 = arith.addf %add3A_1074, %mul3A_1072 : vector<16xf32>
    %mul3A_1076 = arith.mulf %mul3A_1065, %add3A_1075 : vector<16xf32>
    %add3A_1077 = arith.constant 2.000000e+00 : f32
    %add3A_1078 = vector.broadcast %add3A_1077 : f32 to vector<16xf32>
    %add3A_1079 = arith.addf %add3A_1078, %mul3A_1076 : vector<16xf32>
    %mul3A_1080 = arith.mulf %div3A_1064, %add3A_1079 : vector<16xf32>
    %convert_element_type3A_1081 = arith.sitofp %sub3A_1050 : vector<16xi32> to vector<16xf32>
    %mul3A_1082 = arith.constant 0.693147182 : f32
    %mul3A_1083 = vector.broadcast %mul3A_1082 : f32 to vector<16xf32>
    %mul3A_1084 = arith.mulf %convert_element_type3A_1081, %mul3A_1083 : vector<16xf32>
    %add3A_1085 = arith.addf %mul3A_1084, %mul3A_1080 : vector<16xf32>
    %sub3A_1086 = arith.subf %add3A_1085, %get3A_582 : vector<16xf32>
    %jit3A_1087 = arith.constant 0.000000e+00 : f32
    %broadcast_in_dim3A_1088 = vector.broadcast %jit3A_1087 : f32 to vector<16xf32>
    %select_n3A_1089 = arith.select %eq3A_626, %broadcast_in_dim3A_1088, %sub3A_1086 : vector<16xi1>, vector<16xf32>
    %add3A_1090 = arith.addf %add3A_1042, %select_n3A_1089 : vector<16xf32>
    %add3A_1091 = arith.addf %exp3A_640, %add3A_754 : vector<16xf32>
    %bitcast3A_1092 = vector.bitcast %add3A_1091 : vector<16xf32> to vector<16xi32>
    %shift_right_arithmetic3A_1093 = arith.constant 23 : i32
    %shift_right_arithmetic3A_1094 = vector.broadcast %shift_right_arithmetic3A_1093 : i32 to vector<16xi32>
    %shift_right_arithmetic3A_1095 = arith.shrsi %bitcast3A_1092, %shift_right_arithmetic3A_1094 : vector<16xi32>
    %sub3A_1096 = arith.constant 127 : i32
    %sub3A_1097 = vector.broadcast %sub3A_1096 : i32 to vector<16xi32>
    %sub3A_1098 = arith.subi %shift_right_arithmetic3A_1095, %sub3A_1097 : vector<16xi32>
    %and3A_1099 = arith.constant 8388607 : i32
    %and3A_1100 = vector.broadcast %and3A_1099 : i32 to vector<16xi32>
    %and3A_1101 = arith.andi %bitcast3A_1092, %and3A_1100 : vector<16xi32>
    %or3A_1102 = arith.constant 1065353216 : i32
    %or3A_1103 = vector.broadcast %or3A_1102 : i32 to vector<16xi32>
    %or3A_1104 = arith.ori %and3A_1101, %or3A_1103 : vector<16xi32>
    %bitcast3A_1105 = vector.bitcast %or3A_1104 : vector<16xi32> to vector<16xf32>
    %sub3A_1106 = arith.constant 1.000000e+00 : f32
    %sub3A_1107 = vector.broadcast %sub3A_1106 : f32 to vector<16xf32>
    %sub3A_1108 = arith.subf %bitcast3A_1105, %sub3A_1107 : vector<16xf32>
    %add3A_1109 = arith.constant 1.000000e+00 : f32
    %add3A_1110 = vector.broadcast %add3A_1109 : f32 to vector<16xf32>
    %add3A_1111 = arith.addf %bitcast3A_1105, %add3A_1110 : vector<16xf32>
    %div3A_1112 = arith.divf %sub3A_1108, %add3A_1111 : vector<16xf32>
    %mul3A_1113 = arith.mulf %div3A_1112, %div3A_1112 : vector<16xf32>
    %mul3A_1114 = arith.constant 0.285714298 : f32
    %mul3A_1115 = vector.broadcast %mul3A_1114 : f32 to vector<16xf32>
    %mul3A_1116 = arith.mulf %mul3A_1113, %mul3A_1115 : vector<16xf32>
    %add3A_1117 = arith.constant 4.000000e-01 : f32
    %add3A_1118 = vector.broadcast %add3A_1117 : f32 to vector<16xf32>
    %add3A_1119 = arith.addf %add3A_1118, %mul3A_1116 : vector<16xf32>
    %mul3A_1120 = arith.mulf %mul3A_1113, %add3A_1119 : vector<16xf32>
    %add3A_1121 = arith.constant 0.666666686 : f32
    %add3A_1122 = vector.broadcast %add3A_1121 : f32 to vector<16xf32>
    %add3A_1123 = arith.addf %add3A_1122, %mul3A_1120 : vector<16xf32>
    %mul3A_1124 = arith.mulf %mul3A_1113, %add3A_1123 : vector<16xf32>
    %add3A_1125 = arith.constant 2.000000e+00 : f32
    %add3A_1126 = vector.broadcast %add3A_1125 : f32 to vector<16xf32>
    %add3A_1127 = arith.addf %add3A_1126, %mul3A_1124 : vector<16xf32>
    %mul3A_1128 = arith.mulf %div3A_1112, %add3A_1127 : vector<16xf32>
    %convert_element_type3A_1129 = arith.sitofp %sub3A_1098 : vector<16xi32> to vector<16xf32>
    %mul3A_1130 = arith.constant 0.693147182 : f32
    %mul3A_1131 = vector.broadcast %mul3A_1130 : f32 to vector<16xf32>
    %mul3A_1132 = arith.mulf %convert_element_type3A_1129, %mul3A_1131 : vector<16xf32>
    %add3A_1133 = arith.addf %mul3A_1132, %mul3A_1128 : vector<16xf32>
    %sub3A_1134 = arith.subf %add3A_1133, %get3A_584 : vector<16xf32>
    %jit3A_1135 = arith.constant 0.000000e+00 : f32
    %broadcast_in_dim3A_1136 = vector.broadcast %jit3A_1135 : f32 to vector<16xf32>
    %select_n3A_1137 = arith.select %eq3A_632, %broadcast_in_dim3A_1136, %sub3A_1134 : vector<16xi1>, vector<16xf32>
    %add3A_1138 = arith.addf %add3A_1090, %select_n3A_1137 : vector<16xf32>
    %reduce_sum3A = arith.constant true
    %reduce_sum3A_1139 = vector.broadcast %reduce_sum3A : i1 to vector<16xi1>
    %reduce_sum3A_1140 = tpu.scan <sum>, %add3A_1138 masked %reduce_sum3A_1139 : vector<16xf32>, vector<16xi1> -> vector<16xf32>
    %reduce_sum3A_1141 = vector.extract %reduce_sum3A_1140[15] : f32 from vector<16xf32>
    %mul3A_1142 = arith.constant 8.192000e+03 : f32
    %mul3A_1143 = arith.mulf %reduce_sum3A_1141, %mul3A_1142 : f32
    %add3A_1144 = arith.constant 5.000000e-01 : f32
    %add3A_1145 = arith.addf %mul3A_1143, %add3A_1144 : f32
    %convert_element_type3A_1146 = arith.fptosi %add3A_1145 : f32 to i32
    %reduce_sum3A_1147 = arith.constant true
    %reduce_sum3A_1148 = vector.broadcast %reduce_sum3A_1147 : i1 to vector<16xi1>
    %reduce_sum3A_1149 = tpu.scan <sum>, %add3A_722 masked %reduce_sum3A_1148 : vector<16xf32>, vector<16xi1> -> vector<16xf32>
    %reduce_sum3A_1150 = vector.extract %reduce_sum3A_1149[15] : f32 from vector<16xf32>
    %convert_element_type3A_1151 = arith.fptosi %reduce_sum3A_1150 : f32 to i32
    %barrier3A = arith.constant 0 : index
    tpu.barrier barrier_id(%barrier3A)
    %sc_fetch_and_add3A = arith.constant 0 : i32
    %sc_fetch_and_add3A_1152 = arith.constant 0 : i32
    %sc_fetch_and_add3A_1153 = tpu.fetch_and_add_sync %arg6[%sc_fetch_and_add3A], %convert_element_type3A_1146, %sc_fetch_and_add3A_1152 : memref<2xi32, #tpu.memory_space<smem>>, i32 -> i32
    %sc_fetch_and_add3A_1154 = arith.constant 1 : i32
    %sc_fetch_and_add3A_1155 = arith.constant 0 : i32
    %sc_fetch_and_add3A_1156 = tpu.fetch_and_add_sync %arg6[%sc_fetch_and_add3A_1154], %convert_element_type3A_1151, %sc_fetch_and_add3A_1155 : memref<2xi32, #tpu.memory_space<smem>>, i32 -> i32
    %barrier3A_1157 = arith.constant 0 : index
    tpu.barrier barrier_id(%barrier3A_1157)
    %eq3A_1158 = arith.constant 0 : i32
    %eq3A_1159 = arith.cmpi eq, %add3A, %eq3A_1158 : i32
    %convert_element_type3A_1160 = arith.extui %eq3A_1159 : i1 to i32
    %cond3A_1161 = arith.constant 0 : i32
    %cond3A_1162 = arith.cmpi ne, %convert_element_type3A_1160, %cond3A_1161 : i32
    scf.if %cond3A_1162 {
      %get3A_1163 = arith.constant 0 : i32
      %get3A_1164 = arith.index_cast %get3A_1163 : i32 to index
      %get3A_1165 = memref.load %arg6[%get3A_1164] : memref<2xi32, #tpu.memory_space<smem>>
      %broadcast_in_dim3A_1166 = vector.broadcast %get3A_1165 : i32 to vector<16xi32>
      %convert_element_type3A_1167 = arith.sitofp %broadcast_in_dim3A_1166 : vector<16xi32> to vector<16xf32>
      %get3A_1168 = arith.constant 1 : i32
      %get3A_1169 = arith.index_cast %get3A_1168 : i32 to index
      %get3A_1170 = memref.load %arg6[%get3A_1169] : memref<2xi32, #tpu.memory_space<smem>>
      %broadcast_in_dim3A_1171 = vector.broadcast %get3A_1170 : i32 to vector<16xi32>
      %convert_element_type3A_1172 = arith.sitofp %broadcast_in_dim3A_1171 : vector<16xi32> to vector<16xf32>
      %mul3A_1173 = arith.constant 1.22070313E-4 : f32
      %mul3A_1174 = vector.broadcast %mul3A_1173 : f32 to vector<16xf32>
      %mul3A_1175 = arith.mulf %convert_element_type3A_1167, %mul3A_1174 : vector<16xf32>
      %div3A_1176 = arith.divf %mul3A_1175, %convert_element_type3A_1172 : vector<16xf32>
      %swap3A = arith.constant 0 : index
      %swap3A_1177 = tpu.vector_load %arg5[%swap3A] {strides = array<i32>} : memref<16xf32, #tpu.memory_space<vmem>>, vector<16xf32>,
      tpu.vector_store %arg5[%swap3A], %div3A_1176 {strides = array<i32>} : memref<16xf32, #tpu.memory_space<vmem>>, vector<16xf32>,
      "tpu.region"() ({
        %run_scoped3A = tpu.sem_alloc : memref<!tpu.dma_semaphore, #tpu.memory_space<semaphore_mem>>
        tpu.enqueue_dma source(%arg5 : memref<16xf32, #tpu.memory_space<vmem>>) target(%arg3 : memref<16xf32, #tpu.memory_space<hbm>>) target_semaphore(%run_scoped3A : memref<!tpu.dma_semaphore, #tpu.memory_space<semaphore_mem>>)
        tpu.wait_dma2 semaphore(%run_scoped3A : memref<!tpu.dma_semaphore, #tpu.memory_space<semaphore_mem>>) src(%arg5 : memref<16xf32, #tpu.memory_space<vmem>>) dst(%arg3 : memref<16xf32, #tpu.memory_space<hbm>>)
        tpu.yield
      }) : () -> ()
    } else {
    }
    return
  }
}

</mosaic_0001>

<sc_bundles>
// kernel: _run.3.cloned.1.call-start
scs
__scs_entry_jumppad:
0x0: {  	(pc) =	sbr.rel $0x88, $3  }
0x1: {  	(tag) =	ssettag $0x0;
	lr =	simm.s32 $0x1  }
0x2: {  	[smem:$0x3FA0] =	sst lr;
	_ =	strace $0xD0000000  }
0x3: {  	_ = 	snop  }
0x4: {  	_ = 	snop  }
0x5: {  	_ = 	snop  }
0x6: {  	_ = 	snop  }
0x7: {  	_ = 	snop  }
__scs_overlays_trampoline_lowered:
0x8: {  	[smem:$0x3FAF] =	sst s0  }
0x9: {  	[smem:$0x3FB0] =	sst s1  }
0xa: {  	[smem:$0x3FB1] =	sst s2  }
0xb: {  	[smem:$0x3FB2] =	sst s3  }
0xc: {  	[smem:$0x3FB3] =	sst s4  }
0xd: {  	[smem:$0x3FB4] =	sst s5  }
0xe: {  	[smem:$0x3FB5] =	sst s6  }
0xf: {  	[smem:$0x3FB6] =	sst s7  }
0x10: {  	[smem:$0x3FB7] =	sst s8  }
0x11: {  	[smem:$0x3FB8] =	sst s9;
	s0 =	simm.s32 @!p0 $0x0  }
0x12: {  	s1 =	sld [smem:$0x3F9E];
	s0 =	simm.s32 @p0 $0x1  }
0x13: {  	[smem:$0x3FB9] =	sst s0;
	s0 =	simm.s32 @!p1 $0x0  }
0x14: {  	s2 =	sld [smem:$0x3F9D];
	s0 =	simm.s32 @p1 $0x1  }
0x15: {  	[smem:$0x3FBA] =	sst s0;
	s0 =	simm.s32 @!p2 $0x0  }
0x16: {  	s3 =	sld [smem:$0x3FDB];
	s0 =	simm.s32 @p2 $0x1  }
0x17: {  	s4 =	simm.s32 $0x1BF5;
	[smem:$0x3FBC] =	sst s0  }
0x18: {  	s0 =	sld [smem:$0x3F9F];
	_ =	swait.ge [sflag:s4], $0x0  }
0x19: {  	s7 =	sld [smem:$0x3FA0]  }
0x1a: {  	s8 =	sadd.s32 $0xFFFFE003, lr  }
0x1b: {  	s9 =	sadd.s32 $0xFFFFFEF7, lr;
	s5 =	simm.s32 $0xFFFFFFFF;
	p2 =	slt.u32 s8, $0xFFFFF086  }
0x1c: {  	p1 =	slt.u32 s9, $0xF7A;
	s5 =	simm.s32 @!p2 $0x0  }
0x1d: {  	s5 =	simm.s32 @p1 $0x1;
	p0 =	seq.s32 s7, s2  }
0x1e: {  	s7 =	smul.u32 @!p0 $0xF7A, s2;
	p2 =	seq.s32 @!p0 s5, $0x0  }
0x1f: {  	s9 =	smul.u32 $0xF7A, s1;
	s8 =	simm.s32 @!p0 $0x1BF5;
	p2 =	por !p2, p0  }
0x20: {  	[sflag:s8] =	ssyncset.s32 @!p0 $0xFFFFF086;
	s6 =	sadd.s32 @!p0 s3, s7;
	s7 =	simm.s32 @!p0 $0x108  }
0x21: {  	s3 =	sadd.s32 s3, s9;
	s6 =	sadd.s32 @!p0 $0x88, s6;
	s7 =	simm.s32 @p2 $0x1082  }
0x22: {  	[simem:s7], [sflag:s8] =	dma.local @!p0 [hbm:s6], $0xF7A  }
0x23: {  	s9 =	sor.u32 $0xD0000000, s2;
	s6 =	simm.s32 $0x108;
	_ =	swait.ge @!p0 [sflag:s8], $0x0  }
0x24: {  	s3 =	sadd.s32 $0x88, s3;
	s6 =	simm.s32 @!p1 $0x1082;
	[sflag:s4] =	ssyncset.s32 $0xFFFFF086  }
0x25: {  	[simem:s6], [sflag:s4] =	dma.local [hbm:s3], $0xF7A  }
0x26: {  	[smem:$0x3FA0] =	sst s1;
	(tag) =	ssettag s2;
	_ =	strace s9  }
0x27: {  	s1 =	sld [smem:$0x3FB0]  }
0x28: {  	s2 =	sld [smem:$0x3FB1]  }
0x29: {  	s4 =	sld [smem:$0x3FB3]  }
0x2a: {  	p0 =	seq.s32 s5, $0x0;
	s5 =	sld [smem:$0x3FB4]  }
0x2b: {  	s6 =	sld [smem:$0x3FB5]  }
0x2c: {  	s7 =	sld [smem:$0x3FB6]  }
0x2d: {  	s3 =	simm.s32 $0x108;
	s8 =	sld [smem:$0x3FB7]  }
0x2e: {  	s3 =	simm.s32 @!p0 $0x1082;
	s9 =	sld [smem:$0x3FB8]  }
0x2f: {  	lr =	sadd.s32 s0, s3;
	s0 =	sld [smem:$0x3FAF]  }
0x30: {  	s3 =	sld [smem:$0x3FB2]  }
0x31: {  	[smem:$0x3FBB] =	sst s10  }
0x32: {  	s10 =	sld [smem:$0x3FB9];
	_ =	sdelay $0x3  }
0x33: {  	p0 =	seq.s32 s10, $0x1;
	s10 =	sld [smem:$0x3FBB];
	_ =	sdelay $0x3  }
0x34: {  	[smem:$0x3FBB] =	sst s10  }
0x35: {  	s10 =	sld [smem:$0x3FBA];
	_ =	sdelay $0x3  }
0x36: {  	p1 =	seq.s32 s10, $0x1;
	s10 =	sld [smem:$0x3FBB];
	_ =	sdelay $0x3  }
0x37: {  	[smem:$0x3FBB] =	sst s10  }
0x38: {  	s10 =	sld [smem:$0x3FBC]  }
0x39: {  	_ = 	snop;
	(pc) =	sbr.ind lr, $3  }
0x3a: {  	_ = 	snop  }
0x3b: {  	_ = 	snop  }
0x3c: {  	p2 =	seq.s32 s10, $0x1;
	s10 =	sld [smem:$0x3FBB]  }
0x3d: {  	_ =	shalt  }
0x3e: {  	_ =	shalt  }
0x3f: {  	_ =	shalt  }
0x40: {  	_ =	shalt  }
0x41: {  	_ =	shalt  }
0x42: {  	_ =	shalt  }
0x43: {  	_ =	shalt  }
0x44: {  	_ =	shalt  }
0x45: {  	_ =	shalt  }
0x46: {  	_ =	shalt  }
0x47: {  	_ =	shalt  }
0x48: {  	_ =	shalt  }
0x49: {  	_ =	shalt  }
0x4a: {  	_ =	shalt  }
0x4b: {  	_ =	shalt  }
0x4c: {  	_ =	shalt  }
0x4d: {  	_ =	shalt  }
0x4e: {  	_ =	shalt  }
0x4f: {  	_ =	shalt  }
0x50: {  	_ =	shalt  }
0x51: {  	_ =	shalt  }
0x52: {  	_ =	shalt  }
0x53: {  	_ =	shalt  }
0x54: {  	_ =	shalt  }
0x55: {  	_ =	shalt  }
0x56: {  	_ =	shalt  }
0x57: {  	_ =	shalt  }
0x58: {  	_ =	shalt  }
0x59: {  	_ =	shalt  }
0x5a: {  	_ =	shalt  }
0x5b: {  	_ =	shalt  }
0x5c: {  	_ =	shalt  }
0x5d: {  	_ =	shalt  }
0x5e: {  	_ =	shalt  }
0x5f: {  	_ =	shalt  }
0x60: {  	_ =	shalt  }
0x61: {  	_ =	shalt  }
0x62: {  	_ =	shalt  }
0x63: {  	_ =	shalt  }
0x64: {  	_ =	shalt  }
0x65: {  	_ =	shalt  }
0x66: {  	_ =	shalt  }
0x67: {  	_ =	shalt  }
0x68: {  	_ =	shalt  }
0x69: {  	_ =	shalt  }
0x6a: {  	_ =	shalt  }
0x6b: {  	_ =	shalt  }
0x6c: {  	_ =	shalt  }
0x6d: {  	_ =	shalt  }
0x6e: {  	_ =	shalt  }
0x6f: {  	_ =	shalt  }
0x70: {  	_ =	shalt  }
0x71: {  	_ =	shalt  }
0x72: {  	_ =	shalt  }
0x73: {  	_ =	shalt  }
0x74: {  	_ =	shalt  }
0x75: {  	_ =	shalt  }
0x76: {  	_ =	shalt  }
0x77: {  	_ =	shalt  }
0x78: {  	_ =	shalt  }
0x79: {  	_ =	shalt  }
0x7a: {  	_ =	shalt  }
0x7b: {  	_ =	shalt  }
0x7c: {  	_ =	shalt  }
0x7d: {  	_ =	shalt  }
0x7e: {  	_ =	shalt  }
0x7f: {  	_ =	shalt  }
0x80: {  	_ =	shalt  }
0x81: {  	_ =	shalt  }
0x82: {  	_ =	shalt  }
0x83: {  	_ =	shalt  }
0x84: {  	_ =	shalt  }
0x85: {  	_ =	shalt  }
0x86: {  	_ =	shalt  }
0x87: {  	_ =	shalt  }
.Lfunc_end0:
.L_simem_size_0:
called_computation_lowered:
.L_overlay_start_0:
0x88: {  	s0 =	sld [smem:$0x3FD9]  }
0x89: {  	s1 =	sld [smem:$0x3FFE];
	_ =	sdelay $0x3  }
0x8a: {  	s0 =	sadd.s32 s1, s0  }
0x8b: {  	[smem:$0x3FC7] =	sst s0  }
0x8c: {  	_ = 	snop  }
0x8d: {  	s0 =	sld [smem:$0x3FC9]  }
0x8e: {  	s17 =	sld [smem:$0x3FD0];
	(tm) =	ssettm $0x1  }
0x8f: {  	s2 =	sld [smem:$0x3FFB];
	_ =	sdelay $0x3  }
0x90: {  	_ =	strace s2  }
0x91: {  	s2 =	sld [smem:$0x3FFC];
	_ =	sdelay $0x3  }
0x92: {  	_ =	strace s2  }
0x93: {  	s2 =	sld [smem:$0x3FFD];
	_ =	sdelay $0x3  }
0x94: {  	_ =	strace s2  }
0x95: {  	_ =	strace $0x8FFFFFFF  }
0x96: {  	s18 =	sld [smem:$0x3FDB];
	_ =	sdelay $0x1  }
0x97: {  	s3 =	simm.s32 $_scs_section_size  }
0x98: {  	s4 =	simm.s32 $_size__tile_overlayer_lowered;
	s5 =	simm.s32 $_tile_overlayer_lowered  }
0x99: {  	s21 =	simm.s32 $0x1BFF;
	s20 =	sshll.u32 s5, $0x1;
	s2 =	sadd.s32 s3, s18  }
0x9a: {  	s6 =	simm.s32 $0x0;
	s19 =	sshll.u32 s4, $0x1;
	s4 =	sadd.s32 s20, s2  }
0x9b: {  	[timem:s6], [sflag:s21] =	dma.local [hbm:s4], s19  }
0x9c: {  	_ =	swait.ge [sflag:s21], s19  }
0x9d: {  	s3 =	ssub.s32 $0x0, s19;
	[sflag:s21] =	ssyncset.done $0x0  }
0x9e: {  	[sflag:s21] =	ssyncadd.s32 s3;
	_ =	sdelay $0x1  }
0x9f: {  	s22 =	simm.s32 $0x1B8B  }
0xa0: {  	_ =	swait.ge [sflag:s22], $0x1  }
0xa1: {  	[sflag:s22] =	ssyncset.done $0x0  }
0xa2: {  	s23 =	simm.s32 $0x1B8E;
	[sflag:s22] =	ssyncadd.s32 $0xFFFFFFFF  }
0xa3: {  	s24 =	simm.s32 $execute0_lowered;
	[smem:$0x3FD2] =	sst s23  }
0xa4: {  	s3 =	sshll.u32 s24, $0x1;
	_ =	strace $0x80000046;
	[dreg:$0x1] =	wrdreg $0xFFFFFFFF  }
0xa5: {  	s25 =	simm.s32 $_size_execute0_lowered;
	s2 =	sadd.s32 s2, s3;
	[dreg:$0x0] =	wrdreg $0x0  }
0xa6: {  	s3 =	sshll.u32 s25, $0x1;
	[dreg:$0x2] =	wrdreg s2  }
0xa7: {  	[dreg:$0x3] =	wrdreg s3  }
0xa8: {  	[dreg:$0x4] =	wrdreg $0xC0  }
0xa9: {  	_ =	task [dreg:s6], $0x5FFFF  }
0xaa: {  	[dreg:$0x1] =	wrdreg $0xFFFFFFFF  }
0xab: {  	[dreg:$0x0] =	wrdreg $0x60  }
0xac: {  	[dreg:$0x2] =	wrdreg s0  }
0xad: {  	[dreg:$0x3] =	wrdreg s17  }
0xae: {  	[dreg:$0x4] =	wrdreg $0x9  }
0xaf: {  	_ =	task.clear_ibuf [dreg:s6], $0x5FFFF;
	_ =	strace $0x90000046  }
0xb0: {  	s26 =	simm.s32 $0x9;
	_ =	strace $0x80000048  }
0xb1: {  	_ =	swait.ge [sflag:s26], $0x1  }
0xb2: {  	[sflag:s26] =	ssyncadd.s32 $0xFFFFFFFF  }
0xb3: {  	_ =	strace $0x90000048  }
0xb4: {  	_ =	sfence  }
0xb5: {  	s28 =	sld [smem:$0x0];
	_ =	sdelay $0x1  }
0xb6: {  	s29 =	srdreg.scid  }
0xb7: {  	s30 =	sshll.u32 s29, $0xD;
	s31 =	sshrl.u32 s29, $0x2  }
0xb8: {  	s1 =	sand.u32 $0x1, s29;
	s2 =	sand.u32 $0x4000, s30;
	s0 =	sadd.s32 s31, s28  }
0xb9: {  	s1 =	sor.u32 s2, s1;
	s0 =	sshll.u32 s0, $0x11  }
0xba: {  	s0 =	sor.u32 s0, s1  }
0xbb: {  	s0 =	sadd.s32 $0x8F2B, s0  }
0xbc: {  	[sflag:s0] =	ssyncadd.remote.s32 $0x1  }
0xbd: {  	_ =	sfence.sel $0xFFFF  }
0xbe: {  	[dreg:$0x0] =	wrdreg $0xFFFFFFFF;
	(pc) =	sbr.abs _section_cstart, $3  }
0xbf: {  	[dreg:$0x1] =	wrdreg $0xFFFFFFFF  }
0xc0: {  	_ =	task.clear_ibuf [dreg:s6], $0x2FFFF;
	_ =	strace $0x9FFFFFFF  }
0xc1: {  	(tm) =	ssettm $0x7FFFFFFF  }
tec
execute0_lowered:
.L_overlay_start_1:
0x0: {  	(tag) =	ssettag $0x1  }
0x1: {  	s4 =	rddreg [dreg:$0x0]  }
0x2: {  	s1 =	rddreg [dreg:$0x1]  }
0x3: {  	s0 =	rddreg [dreg:$0x2];
	s2 =	simm.s32 $0x0;
	s3 =	stileid.u32  }
0x4: {  	[smem:$0x7FF] =	sst s2;
	s5 =	sshll.u32 s3, $0x6  }
0x5: {  	s26 =	simm.s32 $0x3;
	_ =	strace $0x80000047;
	s4 =	sadd.s32 s4, s5  }
0x6: {  	[tilespmem:s2], [sflag:$0x3] =	stream.linear.gather [hbm4b:s4+s2], $0x200, $0x38;
	[tilespmem:$0x280] =	vst v63  }
0x7: {  	_ =	swait.ge [sflag:s26], $0x200  }
0x8: {  	[sflag:s26] =	ssyncset.done $0x0  }
0x9: {  	[sflag:s26] =	ssyncadd.s32 $0xFFFFFE00  }
0xa: {  	v5 =	vld [tilespmem:$0x0];
	_ =	sdelay $0x1  }
0xb: {  	v17 =	vld [tilespmem:$0x10];
	_ =	sdelay $0x1  }
0xc: {  	v14 =	vld [tilespmem:$0x20]  }
0xd: {  	v0 =	vmul.f32 $1.442695020e+00, v5  }
0xe: {  	v12 =	vld [tilespmem:$0x30]  }
0xf: {  	v41 =	vmul.f32 $1.442695020e+00, v17;
	(erf) = vpow2.f32 v0  }
0x10: {  	v10 =	vld [tilespmem:$0x40]  }
0x11: {  	v8 =	vld [tilespmem:$0x50];
	v42 =	vmul.f32 $1.442695020e+00, v14;
	(erf) = vpow2.f32 v41  }
0x12: {  	v3 =	vld [tilespmem:$0x60]  }
0x13: {  	v1 =	vld [tilespmem:$0x70];
	v43 =	vmul.f32 $1.442695020e+00, v12;
	(erf) = vpow2.f32 v42  }
0x14: {  	v2 =	vld [tilespmem:$0x80]  }
0x15: {  	v4 =	vld [tilespmem:$0x90];
	v44 =	vmul.f32 $1.442695020e+00, v10;
	(erf) = vpow2.f32 v43;
	_ =	sdelay $0x1  }
0x16: {  	v6 =	vld [tilespmem:$0xA0];
	v45 =	vmul.f32 $1.442695020e+00, v8;
	(erf) = vpow2.f32 v44  }
0x17: {  	v7 =	vpop (erf)  }
0x18: {  	v9 =	vld [tilespmem:$0xB0];
	v46 =	vmul.f32 $1.442695020e+00, v3;
	(erf) = vpow2.f32 v45;
	v11 =	vadd.f32 $0.0e+00, v7  }
0x19: {  	vm4 =	veq.s32 v2, $0x0;
	vm6 =	veq.s32 v4, $0x0;
	v48 =	vmul.f32 $1.442695020e+00, v1;
	v47 =	vpop (erf)  }
0x1a: {  	v13 =	vld [tilespmem:$0xC0];
	(erf) = vpow2.f32 v46;
	v50 =	vnsel vm6, $0x0, v47;
	v49 =	vnsel vm4, $0x0, v11  }
0x1b: {  	vm10 =	veq.s32 v6, $0x0;
	v51 =	vpop (erf);
	v0 =	vadd.f32 v50, v49  }
0x1c: {  	v52 =	vld [tilespmem:$0xD0];
	(erf) = vpow2.f32 v48;
	v53 =	vnsel vm10, $0x0, v51  }
0x1d: {  	vm11 =	veq.s32 v9, $0x0;
	v16 =	vpop (erf);
	v0 =	vadd.f32 v53, v0  }
0x1e: {  	v54 =	vld [tilespmem:$0xE0];
	v55 =	vnsel vm11, $0x0, v16  }
0x1f: {  	vm8 =	veq.s32 v13, $0x0;
	v21 =	vpop (erf);
	v0 =	vadd.f32 v55, v0  }
0x20: {  	v60 =	vimm.s32 $0xFEDCBA98;
	v61 =	vimm.s32 $0x76543210;
	v56 =	vld [tilespmem:$0xF0];
	v57 =	vnsel vm8, $0x0, v21  }
0x21: {  	v18 =	vimm.s32 $0xBA98FEDC;
	vm7 =	veq.s32 v52, $0x0;
	v58 =	vpop (erf);
	v0 =	vadd.f32 v57, v0  }
0x22: {  	v19 =	vimm.s32 $0x32107654;
	v11 =	vunpack.c.l.s4.s8 v60;
	v59 =	vnsel vm7, $0x0, v58  }
0x23: {  	vm0 =	veq.s32 v54, $0x0;
	v9 =	vunpack.c.l.s4.s8 v61;
	v23 =	vpop (erf);
	v0 =	vadd.f32 v59, v0  }
0x24: {  	v18 =	vunpack.c.l.s4.s8 v18;
	v11 =	vunpack.c.0.s8.s32 v11;
	v15 =	vnsel vm0, $0x0, v23  }
0x25: {  	vm1 =	veq.s32 v56, $0x0;
	v9 =	vunpack.c.0.s8.s32 v9;
	v62 =	vpop (erf);
	v0 =	vadd.f32 v15, v0  }
0x26: {  	v19 =	vunpack.c.l.s4.s8 v19;
	v11 =	vand.u32 $0xF, v11;
	v63 =	vnsel vm1, $0x0, v62  }
0x27: {  	v20 =	vcombine.low v11, v9;
	v0 =	vadd.f32 v63, v0  }
0x28: {  	v22 =	vunpack.c.0.s8.s32 v18;
	v24 =	vunpack.c.0.s8.s32 v19  }
0x29: {  	v25 =	vimm.s32 $0xDCFE98BA;
	v26 =	vimm.s32 $0x54761032;
	v15 =	vperm.xlane v0, v20  }
0x2a: {  	v27 =	vunpack.c.l.s4.s8 v25;
	v28 =	vunpack.c.l.s4.s8 v26;
	v9 =	vcombine.low v24, v22  }
0x2b: {  	v0 =	vadd.f32 v0, v15  }
0x2c: {  	v29 =	vunpack.c.0.s8.s32 v27;
	v30 =	vunpack.c.0.s8.s32 v28;
	v19 =	vand.u32 $0xF, v9  }
0x2d: {  	v31 =	vimm.s32 $0xEFCDAB89;
	v22 =	vimm.s32 $0x67452301;
	v15 =	vperm.xlane v0, v19  }
0x2e: {  	v32 =	vunpack.c.l.s4.s8 v31;
	v22 =	vunpack.c.l.s4.s8 v22;
	v9 =	vcombine.low v30, v29  }
0x2f: {  	v0 =	vadd.f32 v0, v15  }
0x30: {  	v33 =	vunpack.c.0.s8.s32 v32;
	v34 =	vunpack.c.0.s8.s32 v22;
	v18 =	vand.u32 $0xF, v9  }
0x31: {  	v15 =	vperm.xlane v0, v18  }
0x32: {  	v9 =	vcombine.low v34, v33  }
0x33: {  	v0 =	vadd.f32 v0, v15  }
0x34: {  	v15 =	vand.u32 $0xF, v9  }
0x35: {  	v9 =	vperm.xlane v0, v15;
	_ =	sdelay $0x1  }
0x36: {  	v0 =	vadd.f32 v0, v9;
	_ =	sdelay $0x1  }
0x37: {  	v7 =	vadd.f32 v0, v7;
	_ =	sdelay $0x1  }
0x38: {  	v2 =	vadd.f32 v0, v47;
	v35 =	vand.u32 $0x7FFFFF, v7  }
0x39: {  	v9 =	vor.u32 $0x3F800000, v35  }
0x3a: {  	v37 =	vand.u32 $0x7FFFFF, v2;
	v36 =	vadd.f32 $1.000000000e+00, v9  }
0x3b: {  	v11 =	vor.u32 $0x3F800000, v37  }
0x3c: {  	v38 =	vadd.f32 $1.000000000e+00, v11;
	(erf) = vrcp.f32 v36;
	_ =	sdelay $0x1  }
0x3d: {  	(erf) = vrcp.f32 v38;
	_ =	sdelay $0x5  }
0x3e: {  	v13 =	vld [tilespmem:$0x100];
	v9 =	vadd.f32 $-1.000000000e+00, v9  }
0x3f: {  	v39 =	vpop (erf)  }
0x40: {  	v11 =	vadd.f32 $-1.000000000e+00, v11;
	v9 =	vmul.f32 v39, v9  }
0x41: {  	v25 =	vpop (erf)  }
0x42: {  	v26 =	vmul.f32 v25, v11;
	v24 =	vmul.f32 v9, v9  }
0x43: {  	v60 =	vmul.f32 $1.442695020e+00, v13;
	v22 =	vadd.f32 v0, v51;
	v30 =	vadd.f32 v0, v16  }
0x44: {  	v16 =	vadd.f32 v0, v62;
	v25 =	vmul.f32 v26, v26;
	v40 =	vmul.f32 $2.857142980e-01, v24  }
0x45: {  	v4 =	vld [tilespmem:$0x150];
	v7 =	vshra.s32 v7, $0x17;
	v44 =	vand.u32 $0x7FFFFF, v22;
	v47 =	vand.u32 $0x7FFFFF, v30  }
0x46: {  	v55 =	vand.u32 $0x7FFFFF, v16;
	v27 =	vmul.f32 $2.857142980e-01, v25;
	v41 =	vadd.f32 $4.000000060e-01, v40  }
0x47: {  	v2 =	vshra.s32 v2, $0x17;
	v30 =	vshra.s32 v30, $0x17;
	v16 =	vshra.s32 v16, $0x17  }
0x48: {  	v45 =	vor.u32 $0x3F800000, v44;
	v43 =	vadd.f32 $4.000000060e-01, v27;
	v11 =	vmul.f32 v41, v24  }
0x49: {  	v7 =	vadd.s32 $0xFFFFFF81, v7;
	v31 =	vor.u32 $0x3F800000, v47;
	v28 =	vor.u32 $0x3F800000, v55  }
0x4a: {  	v55 =	vmul.f32 $1.442695020e+00, v4;
	v42 =	vadd.f32 $6.666666860e-01, v11;
	v11 =	vmul.f32 v43, v25  }
0x4b: {  	v30 =	vadd.s32 $0xFFFFFF81, v30;
	v16 =	vadd.s32 $0xFFFFFF81, v16;
	v46 =	vadd.f32 $1.000000000e+00, v45  }
0x4c: {  	v7 =	vcvt.s32.f32 v7;
	v48 =	vadd.f32 $1.000000000e+00, v31;
	v11 =	vadd.f32 $6.666666860e-01, v11  }
0x4d: {  	v30 =	vcvt.s32.f32 v30;
	v16 =	vcvt.s32.f32 v16;
	v27 =	vadd.f32 v0, v21  }
0x4e: {  	(erf) = vrcp.f32 v46;
	v49 =	vmul.f32 v11, v25;
	v25 =	vadd.f32 v0, v58  }
0x4f: {  	(erf) = vrcp.f32 v48;
	v21 =	vadd.f32 v0, v23;
	v50 =	vand.u32 $0x7FFFFF, v27  }
0x50: {  	v34 =	vor.u32 $0x3F800000, v50;
	v6 =	vmul.f32 v42, v24;
	v51 =	vand.u32 $0x7FFFFF, v25  }
0x51: {  	v53 =	vand.u32 $0x7FFFFF, v21;
	v52 =	vadd.f32 $1.000000000e+00, v34;
	v35 =	vor.u32 $0x3F800000, v51  }
0x52: {  	v29 =	vor.u32 $0x3F800000, v53;
	v6 =	vadd.f32 $2.000000000e+00, v6;
	v11 =	vld [tilespmem:$0x110];
	v54 =	vadd.f32 $1.000000000e+00, v35  }
0x53: {  	v33 =	vmul.f32 $6.931471820e-01, v7;
	v56 =	vadd.f32 $1.000000000e+00, v29;
	(erf) = vrcp.f32 v52  }
0x54: {  	v58 =	vadd.f32 $1.000000000e+00, v28;
	v32 =	vmul.f32 v6, v9;
	v9 =	vld [tilespmem:$0x120];
	(erf) = vrcp.f32 v54  }
0x55: {  	v2 =	vadd.s32 $0xFFFFFF81, v2;
	v47 =	vld [tilespmem:$0x1B0];
	v30 =	vmul.f32 $6.931471820e-01, v30;
	(erf) = vrcp.f32 v56  }
0x56: {  	v57 =	vadd.f32 $-1.000000000e+00, v45;
	v7 =	vld [tilespmem:$0x130];
	v38 =	vcvt.s32.f32 v2;
	(erf) = vrcp.f32 v58  }
0x57: {  	v2 =	vld [tilespmem:$0x160];
	v59 =	vpop (erf);
	v61 =	vmul.f32 $1.442695020e+00, v11;
	(erf) = vpow2.f32 v60  }
0x58: {  	v16 =	vmul.f32 $6.931471820e-01, v16;
	v23 =	vmul.f32 v59, v57;
	v6 =	vld [tilespmem:$0x140]  }
0x59: {  	v36 =	vadd.f32 $2.000000000e+00, v49;
	v49 =	vmul.f32 $1.442695020e+00, v9;
	(erf) = vpow2.f32 v61  }
0x5a: {  	v22 =	vshra.s32 v22, $0x17;
	v38 =	vmul.f32 $6.931471820e-01, v38;
	v41 =	vld [tilespmem:$0x180];
	v63 =	vmul.f32 v23, v23  }
0x5b: {  	v31 =	vadd.f32 $-1.000000000e+00, v31;
	v43 =	vld [tilespmem:$0x190];
	v50 =	vpop (erf);
	v51 =	vmul.f32 $1.442695020e+00, v7;
	(erf) = vpow2.f32 v49  }
0x5c: {  	v57 =	vmul.f32 $1.442695020e+00, v2;
	v39 =	vmul.f32 $2.857142980e-01, v63;
	v32 =	vadd.f32 v32, v33;
	v40 =	vpop (erf)  }
0x5d: {  	vm3 =	veq.s32 v47, $0x0;
	v52 =	vmul.f32 $1.442695020e+00, v6;
	(erf) = vpow2.f32 v51;
	v42 =	vpop (erf)  }
0x5e: {  	v27 =	vshra.s32 v27, $0x17;
	v39 =	vadd.f32 $4.000000060e-01, v39;
	v32 =	vsub.f32 v32, v5;
	v44 =	vpop (erf)  }
0x5f: {  	vm13 =	veq.s32 v41, $0x0;
	v62 =	vmul.f32 v36, v26;
	v54 =	vld [tilespmem:$0x1A0];
	(erf) = vpow2.f32 v52;
	v45 =	vpop (erf)  }
0x60: {  	v53 =	vmul.f32 v39, v63;
	vm12 =	veq.s32 v43, $0x0;
	v33 =	vmul.f32 v50, v31;
	v5 =	vld [tilespmem:$0x170];
	v36 =	vpop (erf)  }
0x61: {  	v24 =	vadd.f32 v62, v38;
	(erf) = vpow2.f32 v55;
	v48 =	vadd.f32 $0.0e+00, v36  }
0x62: {  	v46 =	vmul.f32 v33, v33;
	v56 =	vadd.f32 $6.666666860e-01, v53;
	v39 =	vadd.f32 $0.0e+00, v32;
	v32 =	vpop (erf)  }
0x63: {  	v17 =	vsub.f32 v24, v17;
	v58 =	vld [tilespmem:$0x1C0];
	v61 =	vnsel vm12, $0x0, v32;
	v60 =	vnsel vm13, $0x0, v48  }
0x64: {  	v24 =	vmul.f32 v56, v63;
	vm9 =	veq.s32 v54, $0x0;
	v31 =	vpop (erf);
	v43 =	vadd.f32 v61, v60  }
0x65: {  	v59 =	vmul.f32 $1.442695020e+00, v5;
	v49 =	vld [tilespmem:$0x1D0];
	(erf) = vpow2.f32 v57;
	v63 =	vnsel vm9, $0x0, v31  }
0x66: {  	v34 =	vadd.f32 $-1.000000000e+00, v34;
	v62 =	vmul.f32 $2.857142980e-01, v46;
	v26 =	vpop (erf);
	v38 =	vadd.f32 v63, v43  }
0x67: {  	v50 =	vadd.f32 $2.000000000e+00, v24;
	(erf) = vpow2.f32 v59;
	v54 =	vnsel vm3, $0x0, v26  }
0x68: {  	v0 =	vimm.f32 $1.000000000e+00;
	vm2 =	veq.s32 v58, $0x0;
	v24 =	vpop (erf);
	v55 =	vadd.f32 v54, v38  }
0x69: {  	v53 =	vadd.f32 $4.000000060e-01, v62;
	v56 =	vmul.f32 v50, v23;
	v52 =	vld [tilespmem:$0x1E0];
	v59 =	vnsel vm2, $0x0, v24  }
0x6a: {  	vm14 =	veq.s32 v49, $0x0;
	v48 =	vsel vm6, $0x0, v17;
	v23 =	vpop (erf);
	v17 =	vadd.f32 v59, v55  }
0x6b: {  	v47 =	vadd.f32 $-1.000000000e+00, v29;
	v37 =	vsel vm4, $0x0, v0;
	v58 =	vld [tilespmem:$0x1F0];
	v60 =	vnsel vm14, $0x0, v23  }
0x6c: {  	v25 =	vshra.s32 v25, $0x17;
	v57 =	vmul.f32 v53, v46;
	v17 =	vadd.f32 v60, v17  }
0x6d: {  	v25 =	vadd.s32 $0xFFFFFF81, v25;
	v35 =	vadd.f32 $-1.000000000e+00, v35;
	v34 =	vmul.f32 v40, v34  }
0x6e: {  	v62 =	vadd.s32 $0xFFFFFF81, v22;
	v41 =	vadd.f32 $6.666666860e-01, v57;
	vm5 =	veq.s32 v52, $0x0;
	v22 =	vpop (erf)  }
0x6f: {  	v39 =	vsel vm4, $0x0, v39;
	v51 =	vcvt.s32.f32 v62;
	v63 =	vnsel vm5, $0x0, v22  }
0x70: {  	vm15 =	veq.s32 v58, $0x0;
	v41 =	vmul.f32 v41, v46;
	v46 =	vadd.f32 v63, v17;
	v17 =	vpop (erf)  }
0x71: {  	v35 =	vmul.f32 v42, v35;
	v53 =	vmul.f32 v34, v34;
	v52 =	vnsel vm15, $0x0, v17  }
0x72: {  	v58 =	vsel vm10, $0x0, v0;
	v61 =	vsel vm6, $0x0, v0;
	v40 =	vadd.f32 v52, v46  }
0x73: {  	v37 =	vadd.f32 v61, v37;
	v43 =	vmul.f32 $6.931471820e-01, v51;
	v54 =	vmul.f32 $2.857142980e-01, v53  }
0x74: {  	v41 =	vadd.f32 $2.000000000e+00, v41;
	v55 =	vmul.f32 v35, v35;
	v20 =	vperm.xlane v40, v20  }
0x75: {  	v61 =	vsel vm11, $0x0, v0;
	v38 =	vadd.f32 v56, v43;
	v56 =	vadd.f32 $4.000000060e-01, v54  }
0x76: {  	v33 =	vmul.f32 v41, v33;
	v57 =	vmul.f32 $2.857142980e-01, v55;
	v20 =	vadd.f32 v40, v20  }
0x77: {  	v51 =	vcvt.s32.f32 v25;
	v14 =	vsub.f32 v38, v14;
	v59 =	vmul.f32 v56, v53  }
0x78: {  	v30 =	vadd.f32 v33, v30;
	v60 =	vadd.f32 $4.000000060e-01, v57;
	v19 =	vperm.xlane v20, v19  }
0x79: {  	v33 =	vadd.f32 v58, v37;
	v14 =	vsel vm10, $0x0, v14;
	v62 =	vadd.f32 $6.666666860e-01, v59  }
0x7a: {  	v12 =	vsub.f32 v30, v12;
	v63 =	vmul.f32 v60, v55;
	v19 =	vadd.f32 v20, v19  }
0x7b: {  	v56 =	vsel vm8, $0x0, v0;
	v41 =	vmul.f32 v62, v53;
	v62 =	vsel vm7, $0x0, v0  }
0x7c: {  	v42 =	vadd.f32 $6.666666860e-01, v63;
	v46 =	vadd.s32 $0xFFFFFF81, v27;
	v37 =	vperm.xlane v19, v18  }
0x7d: {  	v27 =	vmul.f32 v44, v47;
	v52 =	vadd.f32 $-1.000000000e+00, v28;
	v63 =	vadd.f32 v39, v48  }
0x7e: {  	v49 =	vmul.f32 v42, v55;
	v40 =	vsel vm11, $0x0, v12;
	v12 =	vadd.f32 v19, v37  }
0x7f: {  	v48 =	vsel vm1, $0x0, v0;
	v50 =	vmul.f32 v27, v27;
	v25 =	vmul.f32 v45, v52  }
0x80: {  	v14 =	vadd.f32 v63, v14;
	v29 =	vadd.f32 $2.000000000e+00, v49;
	v15 =	vperm.xlane v12, v15  }
0x81: {  	v54 =	vmul.f32 $2.857142980e-01, v50;
	v18 =	vadd.f32 $2.000000000e+00, v41;
	v19 =	vcvt.s32.f32 v46  }
0x82: {  	v59 =	vmul.f32 v25, v25;
	v20 =	vadd.f32 v61, v33;
	v12 =	vadd.f32 v12, v15  }
0x83: {  	v14 =	vadd.f32 v14, v40;
	v18 =	vmul.f32 v18, v34;
	v19 =	vmul.f32 $6.931471820e-01, v19  }
0x84: {  	v53 =	vmul.f32 v29, v35;
	v20 =	vadd.f32 v56, v20;
	v55 =	vadd.f32 v12, v36  }
0x85: {  	v57 =	vadd.f32 $4.000000060e-01, v54;
	v61 =	vmul.f32 $2.857142980e-01, v59;
	v18 =	vadd.f32 v18, v19  }
0x86: {  	v45 =	vadd.f32 v62, v20;
	v19 =	vmul.f32 $6.931471820e-01, v51;
	v58 =	vand.u32 $0x7FFFFF, v55  }
0x87: {  	v46 =	vsel vm0, $0x0, v0;
	v10 =	vsub.f32 v18, v10;
	v29 =	vor.u32 $0x3F800000, v58  }
0x88: {  	v62 =	vsel vm12, $0x0, v0;
	v19 =	vadd.f32 v53, v19;
	v60 =	vadd.f32 $1.000000000e+00, v29  }
0x89: {  	v18 =	vmul.f32 v57, v50;
	v36 =	vshra.s32 v21, $0x17;
	v37 =	vadd.f32 v12, v32  }
0x8a: {  	v28 =	vadd.f32 v12, v31;
	v24 =	vadd.f32 v12, v24;
	(erf) = vrcp.f32 v60  }
0x8b: {  	v23 =	vadd.f32 v12, v23;
	v10 =	vsel vm8, $0x0, v10;
	v8 =	vsub.f32 v19, v8  }
0x8c: {  	v18 =	vadd.f32 $6.666666860e-01, v18;
	v19 =	vadd.f32 $4.000000060e-01, v61;
	v32 =	vand.u32 $0x7FFFFF, v37  }
0x8d: {  	v31 =	vand.u32 $0x7FFFFF, v28;
	v55 =	vshra.s32 v55, $0x17;
	v34 =	vand.u32 $0x7FFFFF, v24  }
0x8e: {  	v21 =	vshra.s32 v37, $0x17;
	v32 =	vor.u32 $0x3F800000, v32;
	v41 =	vor.u32 $0x3F800000, v31  }
0x8f: {  	v10 =	vadd.f32 v14, v10;
	v20 =	vadd.s32 $0xFFFFFF81, v55;
	v19 =	vmul.f32 v19, v59  }
0x90: {  	v35 =	vor.u32 $0x3F800000, v34;
	v8 =	vsel vm7, $0x0, v8;
	v15 =	vmul.f32 v18, v50  }
0x91: {  	v18 =	vadd.s32 $0xFFFFFF81, v36;
	v38 =	vadd.f32 $1.000000000e+00, v32;
	v19 =	vadd.f32 $6.666666860e-01, v19  }
0x92: {  	v29 =	vadd.f32 $-1.000000000e+00, v29;
	v42 =	vadd.f32 $1.000000000e+00, v41;
	v18 =	vcvt.s32.f32 v18  }
0x93: {  	v15 =	vadd.f32 $2.000000000e+00, v15;
	(erf) = vrcp.f32 v38;
	v19 =	vmul.f32 v19, v59;
	v39 =	vpop (erf)  }
0x94: {  	v50 =	vadd.f32 $-1.000000000e+00, v32;
	(erf) = vrcp.f32 v42;
	v40 =	vmul.f32 v39, v29  }
0x95: {  	v56 =	vadd.f32 $-1.000000000e+00, v41;
	v18 =	vmul.f32 $6.931471820e-01, v18;
	v15 =	vmul.f32 v15, v27  }
0x96: {  	v20 =	vcvt.s32.f32 v20;
	v19 =	vadd.f32 $2.000000000e+00, v19;
	v43 =	vmul.f32 v40, v40  }
0x97: {  	v36 =	vadd.s32 $0xFFFFFF81, v21;
	v37 =	vadd.f32 $1.000000000e+00, v35;
	v15 =	vadd.f32 v15, v18  }
0x98: {  	v21 =	vadd.f32 v12, v22;
	v19 =	vmul.f32 v19, v25;
	v47 =	vmul.f32 $2.857142980e-01, v43  }
0x99: {  	v8 =	vadd.f32 v10, v8;
	v60 =	vsel vm13, $0x0, v0;
	v3 =	vsub.f32 v15, v3  }
0x9a: {  	v20 =	vmul.f32 $6.931471820e-01, v20;
	v44 =	vadd.f32 v19, v16;
	v49 =	vadd.f32 $4.000000060e-01, v47  }
0x9b: {  	v3 =	vsel vm0, $0x0, v3;
	v16 =	vadd.f32 v46, v45;
	v19 =	vadd.f32 v12, v26  }
0x9c: {  	v12 =	vadd.f32 v12, v17;
	v3 =	vadd.f32 v8, v3;
	v51 =	vpop (erf);
	v15 =	vmul.f32 v49, v43  }
0x9d: {  	v1 =	vsub.f32 v44, v1;
	v10 =	vadd.f32 v48, v16;
	v54 =	vand.u32 $0x7FFFFF, v19;
	v58 =	vpop (erf)  }
0x9e: {  	v16 =	vor.u32 $0x3F800000, v54;
	v25 =	vmul.f32 v58, v56;
	v52 =	vadd.f32 $6.666666860e-01, v15  }
0x9f: {  	v8 =	vmul.f32 v51, v50;
	v1 =	vsel vm1, $0x0, v1;
	v59 =	vadd.f32 $1.000000000e+00, v16  }
0xa0: {  	v3 =	vadd.f32 v3, v1;
	v61 =	vmul.f32 v25, v25;
	v1 =	vmul.f32 v52, v43  }
0xa1: {  	v42 =	vand.u32 $0x7FFFFF, v23;
	v44 =	vshra.s32 v28, $0x17;
	v53 =	vmul.f32 v8, v8  }
0xa2: {  	(erf) = vrcp.f32 v59;
	v63 =	vmul.f32 $2.857142980e-01, v61;
	v1 =	vadd.f32 $2.000000000e+00, v1  }
0xa3: {  	v51 =	vand.u32 $0x7FFFFF, v12;
	v10 =	vadd.f32 v60, v10;
	v57 =	vmul.f32 $2.857142980e-01, v53  }
0xa4: {  	(erf) = vrcp.f32 v37;
	v33 =	vadd.f32 $4.000000060e-01, v63;
	v18 =	vmul.f32 v1, v40  }
0xa5: {  	v16 =	vadd.f32 $-1.000000000e+00, v16;
	v27 =	vor.u32 $0x3F800000, v51;
	v14 =	vadd.f32 $4.000000060e-01, v57  }
0xa6: {  	v47 =	vand.u32 $0x7FFFFF, v21;
	v32 =	vadd.f32 v18, v20;
	v18 =	vmul.f32 v33, v61  }
0xa7: {  	v54 =	vadd.f32 $1.000000000e+00, v27;
	v48 =	vor.u32 $0x3F800000, v47;
	v14 =	vmul.f32 v14, v53  }
0xa8: {  	v26 =	vshra.s32 v19, $0x17;
	v50 =	vadd.f32 $1.000000000e+00, v48;
	v18 =	vadd.f32 $6.666666860e-01, v18  }
0xa9: {  	v12 =	vshra.s32 v12, $0x17;
	v28 =	vadd.f32 $-1.000000000e+00, v48;
	v31 =	vadd.f32 $6.666666860e-01, v14  }
0xaa: {  	v14 =	vadd.s32 $0xFFFFFF81, v44;
	v41 =	vmul.f32 v18, v61;
	v18 =	vor.u32 $0x3F800000, v42  }
0xab: {  	v15 =	vadd.f32 $-1.000000000e+00, v35;
	v14 =	vcvt.s32.f32 v14;
	v38 =	vpop (erf);
	v45 =	vadd.f32 $1.000000000e+00, v18  }
0xac: {  	v1 =	vadd.f32 v62, v10;
	v10 =	vmul.f32 v31, v53;
	v39 =	vmul.f32 v38, v16  }
0xad: {  	v14 =	vmul.f32 $6.931471820e-01, v14;
	v31 =	vadd.f32 $-1.000000000e+00, v27;
	v52 =	vpop (erf);
	(erf) = vrcp.f32 v45  }
0xae: {  	v10 =	vadd.f32 $2.000000000e+00, v10;
	v53 =	vmul.f32 v52, v15;
	v43 =	vmul.f32 v39, v39  }
0xaf: {  	v20 =	vcvt.s32.f32 v36;
	v13 =	vsub.f32 v32, v13;
	(erf) = vrcp.f32 v50  }
0xb0: {  	v32 =	vshra.s32 v24, $0x17;
	v55 =	vmul.f32 v53, v53;
	v46 =	vmul.f32 $2.857142980e-01, v43  }
0xb1: {  	v8 =	vmul.f32 v10, v8;
	v40 =	vmul.f32 $6.931471820e-01, v20;
	v37 =	vadd.s32 $0xFFFFFF81, v32  }
0xb2: {  	v57 =	vmul.f32 $2.857142980e-01, v55;
	v49 =	vadd.f32 $4.000000060e-01, v46;
	(erf) = vrcp.f32 v54  }
0xb3: {  	v8 =	vadd.f32 v8, v40;
	v13 =	vsel vm13, $0x0, v13;
	v16 =	vadd.f32 $2.000000000e+00, v41  }
0xb4: {  	v40 =	vcvt.s32.f32 v37;
	v62 =	vadd.f32 $4.000000060e-01, v57;
	v17 =	vmul.f32 v49, v43  }
0xb5: {  	v3 =	vadd.f32 v13, v3;
	v58 =	vadd.f32 $-1.000000000e+00, v18;
	v16 =	vmul.f32 v16, v25  }
0xb6: {  	v8 =	vsub.f32 v8, v11;
	v13 =	vmul.f32 v62, v55;
	v17 =	vadd.f32 $6.666666860e-01, v17;
	v59 =	vpop (erf)  }
0xb7: {  	v14 =	vadd.f32 v16, v14;
	v16 =	vadd.s32 $0xFFFFFF81, v26;
	v63 =	vmul.f32 v59, v58  }
0xb8: {  	v16 =	vcvt.s32.f32 v16;
	v13 =	vadd.f32 $6.666666860e-01, v13;
	v56 =	vmul.f32 v17, v43;
	v29 =	vpop (erf)  }
0xb9: {  	v8 =	vsel vm12, $0x0, v8;
	v10 =	vmul.f32 v29, v28;
	v18 =	vmul.f32 v63, v63  }
0xba: {  	v16 =	vmul.f32 $6.931471820e-01, v16;
	v13 =	vmul.f32 v13, v55;
	v61 =	vadd.f32 $2.000000000e+00, v56  }
0xbb: {  	v3 =	vadd.f32 v3, v8;
	v34 =	vpop (erf);
	v33 =	vmul.f32 v10, v10;
	v30 =	vmul.f32 $2.857142980e-01, v18  }
0xbc: {  	v9 =	vsub.f32 v14, v9;
	v8 =	vmul.f32 v61, v39;
	v36 =	vmul.f32 v34, v31  }
0xbd: {  	v13 =	vadd.f32 $2.000000000e+00, v13;
	v38 =	vmul.f32 $2.857142980e-01, v33;
	v35 =	vadd.f32 $4.000000060e-01, v30  }
0xbe: {  	v9 =	vsel vm9, $0x0, v9;
	v8 =	vadd.f32 v8, v16;
	v39 =	vmul.f32 v36, v36  }
0xbf: {  	v11 =	vmul.f32 v13, v53;
	v41 =	vadd.f32 $4.000000060e-01, v38;
	v15 =	vmul.f32 v35, v18  }
0xc0: {  	v7 =	vsub.f32 v8, v7;
	v8 =	vmul.f32 $6.931471820e-01, v40;
	v43 =	vmul.f32 $2.857142980e-01, v39  }
0xc1: {  	v3 =	vadd.f32 v3, v9;
	v44 =	vmul.f32 v41, v33;
	v42 =	vadd.f32 $6.666666860e-01, v15  }
0xc2: {  	v45 =	vshra.s32 v23, $0x17;
	v8 =	vadd.f32 v11, v8;
	v15 =	vadd.f32 $4.000000060e-01, v43  }
0xc3: {  	v11 =	vadd.s32 $0xFFFFFF81, v45;
	v9 =	vadd.f32 $6.666666860e-01, v44;
	v13 =	vmul.f32 v42, v18  }
0xc4: {  	v60 =	vsel vm9, $0x0, v0;
	v46 =	vcvt.s32.f32 v11;
	v15 =	vmul.f32 v15, v39  }
0xc5: {  	v48 =	vshra.s32 v21, $0x17;
	v9 =	vmul.f32 v9, v33;
	v13 =	vadd.f32 $2.000000000e+00, v13  }
0xc6: {  	v6 =	vsub.f32 v8, v6;
	v8 =	vmul.f32 $6.931471820e-01, v46;
	v49 =	vadd.f32 $6.666666860e-01, v15  }
0xc7: {  	v9 =	vadd.f32 $2.000000000e+00, v9;
	v47 =	vmul.f32 v13, v63;
	v13 =	vadd.s32 $0xFFFFFF81, v48  }
0xc8: {  	v50 =	vadd.s32 $0xFFFFFF81, v12;
	v14 =	vmul.f32 v49, v39;
	v13 =	vcvt.s32.f32 v13  }
0xc9: {  	v7 =	vsel vm3, $0x0, v7;
	v9 =	vmul.f32 v9, v10;
	v10 =	vcvt.s32.f32 v50  }
0xca: {  	v8 =	vadd.f32 v47, v8;
	v52 =	vadd.f32 $2.000000000e+00, v14;
	v51 =	vmul.f32 $6.931471820e-01, v13  }
0xcb: {  	v3 =	vadd.f32 v3, v7;
	v6 =	vsel vm2, $0x0, v6;
	v55 =	vmul.f32 $6.931471820e-01, v10  }
0xcc: {  	v4 =	vsub.f32 v8, v4;
	v54 =	vmul.f32 v52, v36;
	v53 =	vadd.f32 v9, v51  }
0xcd: {  	v1 =	vadd.f32 v60, v1;
	v56 =	vsel vm3, $0x0, v0;
	v3 =	vadd.f32 v3, v6  }
0xce: {  	v4 =	vsel vm14, $0x0, v4;
	v57 =	vadd.f32 v54, v55;
	v2 =	vsub.f32 v53, v2  }
0xcf: {  	v1 =	vadd.f32 v56, v1;
	v3 =	vadd.f32 v3, v4  }
0xd0: {  	v58 =	vsel vm2, $0x0, v0;
	v5 =	vsub.f32 v57, v5;
	v2 =	vsel vm5, $0x0, v2  }
0xd1: {  	v1 =	vadd.f32 v58, v1;
	v2 =	vadd.f32 v3, v2  }
0xd2: {  	v59 =	vsel vm14, $0x0, v0;
	v60 =	vsel vm15, $0x0, v5  }
0xd3: {  	v1 =	vadd.f32 v59, v1;
	v2 =	vadd.f32 v2, v60  }
0xd4: {  	v61 =	vsel vm5, $0x0, v0  }
0xd5: {  	v1 =	vadd.f32 v61, v1;
	(xrf2) =	vadd.scan.msk.f32 $0xffff, v2  }
0xd6: {  	v0 =	vsel vm15, $0x0, v0  }
0xd7: {  	v0 =	vadd.f32 v0, v1;
	_ =	sdelay $0x1  }
0xd8: {  	(xrf2) =	vadd.scan.msk.f32 $0xffff, v0;
	_ =	sdelay $0x5  }
0xd9: {  	v62, _, _ =	vpop (xrf2)  }
0xda: {  	(v2sf) =	vpush v62, $0xF;
	_ =	sdelay $0x2  }
0xdb: {  	v63, _, _ =	vpop (xrf2)  }
0xdc: {  	(v2sf) =	vpush v63, $0xF;
	_ =	sdelay $0xa  }
0xdd: {  	p0 =	sne.s32 s3, $0x0;
	s28 =	spop (v2sf)  }
0xde: {  	s3 =	simm.s32 @!p0 $0x0;
	s4 =	smul.f32 $8.192000000e+03, s28  }
0xdf: {  	[smem:$0x0] =	sst @!p0 s3  }
0xe0: {  	s4 =	sadd.f32 $5.000000000e-01, s4  }
0xe1: {  	[smem:$0x1] =	sst @!p0 s3;
	s29 =	spop (v2sf)  }
0xe2: {  	s6 =	simm.s32 $0x1;
	[bflag:$0x0] =	sbarrier.arrive $0xFFFF;
	s4 =	scvt.f32.s32 s4  }
0xe3: {  	[sflag:s6] =	ssyncset.done $0x0  }
0xe4: {  	[smem:s2], [sflag:$0x1] =	smem.add.s32 s4  }
0xe5: {  	_ =	swait.done [sflag:s6]  }
0xe6: {  	[sflag:s6] =	ssyncset.s32 $0x0  }
0xe7: {  	s31 =	simm.s32 $0x2;
	s30 =	scvt.f32.s32 s29;
	[sflag:s6] =	ssyncset.done $0x0  }
0xe8: {  	[sflag:s31] =	ssyncset.done $0x0  }
0xe9: {  	[smem:s6], [sflag:$0x2] =	smem.add.s32 s30  }
0xea: {  	_ =	swait.done [sflag:s31]  }
0xeb: {  	[sflag:s31] =	ssyncset.s32 $0x0  }
0xec: {  	[sflag:s31] =	ssyncset.done $0x0  }
0xed: {  	[bflag:$0x0] =	sbarrier.arrive $0xFFFF  }
0xee: {  	_ =	sfence.sel @p0 $0x180000  }
0xef: {  	[bflag:$0x0] =	sbarrier.arrive @p0 $0xFFFF  }
0xf0: {  	_ =	strace @p0 $0x90000047  }
0xf1: {  	[bflag:$0x2] =	sbarrier.arrive @p0 $0xFFFF  }
0xf2: {  	s2 =	sld @!p0 [smem:$0x1];
	_ =	sdelay $0x2  }
0xf3: {  	v0 =	vmov @!p0 s2  }
0xf4: {  	v0 =	vcvt.s32.f32 @!p0 v0;
	_ =	sdelay $0x1  }
0xf5: {  	v0 =	vbroadcast @!p0 v0, $0x0;
	_ =	sdelay $0x1  }
0xf6: {  	s2 =	sld @!p0 [smem:$0x0];
	(erf) = vrcp.f32 @!p0 v0;
	_ =	sdelay $0x2  }
0xf7: {  	v0 =	vmov @!p0 s2  }
0xf8: {  	v0 =	vcvt.s32.f32 @!p0 v0;
	_ =	sdelay $0x1  }
0xf9: {  	v0 =	vmul.f32 @!p0 $1.220703130e-04, v0;
	_ =	sdelay $0x1  }
0xfa: {  	v0 =	vbroadcast @!p0 v0, $0x0  }
0xfb: {  	v1 =	vpop @!p0 (erf)  }
0xfc: {  	v0 =	vmul.f32 @!p0 v1, v0;
	_ =	sdelay $0x1  }
0xfd: {  	s2 =	simm.s32 @!p0 $0x200;
	[tilespmem:$0x200] =	vst @!p0 v0  }
0xfe: {  	[hbm4b:s1+s3] =	stream.linear.scatter @!p0 [tilespmem:s2], [sflag:$0x3], $0x80, $0x38;
	[tilespmem:$0x280] =	vst v63  }
0xff: {  	s1 =	simm.s32 @!p0 $0x3  }
0x100: {  	_ =	swait.ge @!p0 [sflag:s1], $0x80  }
0x101: {  	[sflag:s1] =	ssyncset.done @!p0 $0x0  }
0x102: {  	[sflag:s1] =	ssyncadd.s32 @!p0 $0xFFFFFF80  }
0x103: {  	_ =	sfence.sel @!p0 $0x180000  }
0x104: {  	[bflag:$0x0] =	sbarrier.arrive @!p0 $0xFFFF  }
0x105: {  	_ =	strace @!p0 $0x90000047  }
0x106: {  	s0 =	sadd.s32 @!p0 $0x100000, s0;
	[bflag:$0x2] =	sbarrier.arrive @!p0 $0xFFFF  }
0x107: {  	[sflag:s0] =	ssyncadd.tile.s32 @!p0 $0x1;
	_ =	shalt  }
.Lfunc_end2:
_tile_overlayer_lowered:
.L_overlay_start_2:
0x108: {  	(tag) =	ssettag $0x2  }
0x109: {  	s0 =	rddreg [dreg:$0x0];
	s2 =	stileid.u32  }
0x10a: {  	s1 =	rddreg [dreg:$0x1];
	p0 =	sne.s32 s2, $0x0  }
0x10b: {  	s3 =	rddreg [dreg:$0x2];
	[bflag:$0x3] =	sbarrier.arrive $0xFFFF;
	s2 =	simm.s32 @!p0 $0x1C01  }
0x10c: {  	[timem:s3], [sflag:s2] =	dma.local @!p0 [hbm:s0], s1  }
0x10d: {  	s0 =	simm.s32 @!p0 $0x1  }
0x10e: {  	_ =	swait.ge @!p0 [sflag:s0], s1  }
0x10f: {  	s1 =	ssub.s32 @!p0 $0x0, s1;
	[sflag:s0] =	ssyncset.done @!p0 $0x0  }
0x110: {  	[sflag:s0] =	ssyncadd.s32 @!p0 s1  }
0x111: {  	[bflag:$0x3] =	sbarrier.arrive $0xFFFF  }
0x112: {  	_ =	shalt  }

</sc_bundles>
